<compile_context>
chip_gen: v7x
topology: tpu7x:2x2x1
jax: 0.10.2.dev20260603
libtpu: 0.0.44.dev20260713+nightly
codegen_flags: <defaults>
</compile_context>

<pallas_src>
import dataclasses
import functools

import jax
import jax.numpy as jnp
from jax import lax
from jax.experimental import pallas as pl
from jax.experimental.pallas import tpu as pltpu
from jax.experimental.pallas import tpu_sc as plsc

N_COLS = 26
VOCAB = 100000
EMB = 32
BATCH = 16384
HID = 128

ROWS = N_COLS * EMB
NC, NS = 2, 16
NW = NC * NS
R_PER_W = ROWS // NW
QTR = BATCH // 4
GRP = 16

BN = 4096


def _sc_embed_gather(m, idx_t):
    mesh = plsc.VectorSubcoreMesh(core_axis_name="c", subcore_axis_name="s")
    cp = pltpu.CompilerParams()
    if "needs_layout_passes" in pltpu.CompilerParams.__dataclass_fields__:
        cp = dataclasses.replace(cp, needs_layout_passes=False)

    @functools.partial(
        pl.kernel,
        mesh=mesh,
        compiler_params=cp,
        out_type=jax.ShapeDtypeStruct((ROWS, BATCH), jnp.float32),
        scratch_types=[
            pltpu.VMEM((VOCAB,), jnp.float32),
            pltpu.VMEM((BATCH,), jnp.int32),
            pltpu.VMEM((QTR,), jnp.float32),
            pltpu.VMEM((QTR,), jnp.float32),
            pltpu.VMEM((QTR,), jnp.float32),
            pltpu.SemaphoreType.DMA,
            pltpu.SemaphoreType.DMA,
            pltpu.SemaphoreType.DMA,
            pltpu.SemaphoreType.DMA,
        ],
    )
    def k(m_hbm, idx_hbm, out_hbm, row_v, idx_v, out_a, out_b, out_c,
          sem_r, sem_a, sem_b, sem_c):
        wid = lax.axis_index("s") * NC + lax.axis_index("c")
        base = wid * R_PER_W

        bufs = lambda: [(out_a, sem_a), (out_b, sem_b), (out_c, sem_c)]

        def drain_tail(r_prev):
            for q in (1, 2, 3):
                buf, sem = bufs()[q % 3]
                pltpu.make_async_copy(
                    buf, out_hbm.at[r_prev, pl.ds(q * QTR, QTR)], sem
                ).wait()

        @pl.loop(0, R_PER_W)
        def _(j):
            r = base + j
            c = r // EMB

            row_copy = pltpu.async_copy(m_hbm.at[r], row_v, sem_r)

            @pl.when((j == 0) | (r % EMB == 0))
            def _():
                pltpu.sync_copy(idx_hbm.at[c], idx_v)

            @pl.when(j > 0)
            def _():
                drain_tail(r - 1)

            row_copy.wait()

            handles = [None, None, None]
            for q in range(4):
                buf, sem = bufs()[q % 3]
                if handles[q % 3] is not None:
                    handles[q % 3].wait()

                @plsc.parallel_loop(0, QTR // GRP, unroll=16)
                def _(g, q=q, buf=buf):
                    iv = idx_v[pl.ds(q * QTR + g * GRP, GRP)]
                    buf[pl.ds(g * GRP, GRP)] = plsc.load_gather(row_v, [iv])

                handles[q % 3] = pltpu.async_copy(
                    buf, out_hbm.at[r, pl.ds(q * QTR, QTR)], sem
                )

        drain_tail(base + R_PER_W - 1)

    return k(m, idx_t)


def _tc_linear_t(emb_t, w, bias2d):

    def body(a_ref, w_ref, b_ref, o_ref):
        o_ref[...] = (
            jax.lax.dot_general(
                a_ref[...].astype(jnp.bfloat16),
                w_ref[...].astype(jnp.bfloat16),
                (((0,), (0,)), ((), ())),
                preferred_element_type=jnp.float32,
            )
            + b_ref[...]
        )

    return pl.pallas_call(
        body,
        grid=(BATCH // BN,),
        in_specs=[
            pl.BlockSpec((ROWS, BN), lambda i: (0, i)),
            pl.BlockSpec((ROWS, HID), lambda i: (0, 0)),
            pl.BlockSpec((1, HID), lambda i: (0, 0)),
        ],
        out_specs=pl.BlockSpec((BN, HID), lambda i: (i, 0)),
        out_shape=jax.ShapeDtypeStruct((BATCH, HID), jnp.float32),
    )(emb_t, w, bias2d)


def kernel(indices, tables, W, b):
    m = jnp.transpose(tables, (0, 2, 1)).reshape(ROWS, VOCAB)
    idx_t = indices.T
    emb_t = _sc_embed_gather(m, idx_t)
    return _tc_linear_t(emb_t, W, b.reshape(1, HID))

# --- scband reference (transcript-rebuilt; emitter-appended) ---
"""Pipeline reference for scband-node-input-layer-82111184764945 (READ-ONLY COPY).

The authoritative reference and input builder live on the scoring server;
editing this copy changes nothing except your own understanding.
"""

import jax, jax.numpy as jnp
import numpy as np

N_COLS = 26
VOCAB = 100000
EMB = 32
BATCH = 16384
HID = 128


def setup_inputs(seed: int = 0) -> dict:
    key = jax.random.key(seed)
    k1, k2, k3, k4 = jax.random.split(key, 4)
    # indices[b, c] is the category id for column c of row b (stand-in for df[col].values)
    indices = jax.random.randint(k1, (BATCH, N_COLS), 0, VOCAB, dtype=jnp.int32)
    # 26 embedding tables nn.Embedding(100000, 32), stacked: [N_COLS, VOCAB, EMB]
    tables = jax.random.normal(k2, (N_COLS, VOCAB, EMB), dtype=jnp.float32) * 0.02
    # nn.Linear(output_dim=26*32=832, hidden_dim=128)
    W = jax.random.normal(k3, (N_COLS * EMB, HID), dtype=jnp.float32) * 0.02
    b = jax.random.normal(k4, (HID,), dtype=jnp.float32) * 0.01
    return {"indices": indices, "tables": tables, "W": W, "b": b}


def reference(indices, tables, W, b):
    # Per-column embedding lookup, matching the loop over self.embedding_cols:
    # embed_out = module_dict[col](sparse_data) for each col, then concat on dim=1.
    col_ids = jnp.arange(N_COLS)[None, :]          # [1, N_COLS]
    gathered = tables[col_ids, indices]            # [BATCH, N_COLS, EMB]
    embeddings = gathered.reshape(BATCH, N_COLS * EMB)  # torch.cat(embeddings, dim=1)
    # linear_map=True branch: transformed_out = self.linear(embeddings)
    transformed_out = embeddings @ W + b
    return transformed_out

if __name__ == "__main__":
    import jax
    _d = setup_inputs()
    print(jax.jit(kernel)(*tuple(_d.values())))

</pallas_src>

<mosaic_0001>
#map = affine_map<(d0, d1) -> (0, 0)>
module attributes {stable_mosaic.version = 14 : i64} {
  func.func @k(%arg0: i32, %arg1: i32, %arg2: memref<832x100000xf32, #tpu.memory_space<hbm>>, %arg3: memref<26x16384xi32, #tpu.memory_space<hbm>>, %arg4: memref<832x16384xf32, #tpu.memory_space<hbm>>, %arg5: memref<100000xf32, #tpu.memory_space<vmem>>, %arg6: memref<16384xi32, #tpu.memory_space<vmem>>, %arg7: memref<4096xf32, #tpu.memory_space<vmem>>, %arg8: memref<4096xf32, #tpu.memory_space<vmem>>, %arg9: memref<4096xf32, #tpu.memory_space<vmem>>, %arg10: memref<!tpu.dma_semaphore, #tpu.memory_space<semaphore_mem>>, %arg11: memref<!tpu.dma_semaphore, #tpu.memory_space<semaphore_mem>>, %arg12: memref<!tpu.dma_semaphore, #tpu.memory_space<semaphore_mem>>, %arg13: memref<!tpu.dma_semaphore, #tpu.memory_space<semaphore_mem>>) attributes {dimension_semantics = [#tpu.dimension_semantics<core_parallel>, #tpu.dimension_semantics<subcore_parallel>], iteration_bounds = array<i64: 2, 16>, scalar_prefetch = 0 : i64, scratch_operands = 9 : i64, tpu.core_type = #tpu.core_type<sc_vector_subcore>, window_params = [{transform_indices = #map}, {transform_indices = #map}, {transform_indices = #map}]} {
    %mul3A = arith.constant 2 : i32
    %mul3A_0 = arith.muli %arg1, %mul3A : i32
    %add3A = arith.addi %mul3A_0, %arg0 : i32
    %mul3A_1 = arith.constant 26 : i32
    %mul3A_2 = arith.muli %add3A, %mul3A_1 : i32
    %scan3A = arith.constant 0 : i32
    %scan3A_3 = arith.constant 26 : i32
    %scan3A_4 = arith.addi %scan3A, %scan3A_3 : i32
    %scan3A_5 = arith.constant 1 : i32
    scf.for %scan3A_27 = %scan3A to %scan3A_4 step %scan3A_5  : i32 {
      %mul3A_28 = arith.constant 1 : i32
      %mul3A_29 = arith.muli %scan3A_27, %mul3A_28 : i32
      %add3A_30 = arith.constant 0 : i32
      %add3A_31 = arith.addi %add3A_30, %mul3A_29 : i32
      %add3A_32 = arith.addi %mul3A_2, %add3A_31 : i32
      %jit3A = arith.constant 32 : i32
      %div3A = arith.divsi %add3A_32, %jit3A : i32
      %sign3A = arith.constant 0 : i32
      %sign3A_33 = arith.cmpi sgt, %add3A_32, %sign3A : i32
      %sign3A_34 = arith.extui %sign3A_33 : i1 to i32
      %sign3A_35 = arith.constant 0 : i32
      %sign3A_36 = arith.cmpi slt, %add3A_32, %sign3A_35 : i32
      %sign3A_37 = arith.extui %sign3A_36 : i1 to i32
      %sign3A_38 = arith.subi %sign3A_34, %sign3A_37 : i32
      %sign3A_39 = arith.constant 0 : i32
      %sign3A_40 = arith.cmpi sgt, %jit3A, %sign3A_39 : i32
      %sign3A_41 = arith.extui %sign3A_40 : i1 to i32
      %sign3A_42 = arith.constant 0 : i32
      %sign3A_43 = arith.cmpi slt, %jit3A, %sign3A_42 : i32
      %sign3A_44 = arith.extui %sign3A_43 : i1 to i32
      %sign3A_45 = arith.subi %sign3A_41, %sign3A_44 : i32
      %ne3A = arith.cmpi ne, %sign3A_38, %sign3A_45 : i32
      %rem3A = arith.remsi %add3A_32, %jit3A : i32
      %ne3A_46 = arith.constant 0 : i32
      %ne3A_47 = arith.cmpi ne, %rem3A, %ne3A_46 : i32
      %and3A = arith.andi %ne3A, %ne3A_47 : i1
      %sub3A_48 = arith.constant 1 : i32
      %sub3A_49 = arith.subi %div3A, %sub3A_48 : i32
      %select_n3A = arith.select %and3A, %sub3A_49, %div3A : i32
      %dma_start3A = arith.constant 0 : i32
      %dma_start3A_50 = tpu.memref_slice %arg2[%add3A_32, %dma_start3A] : memref<832x100000xf32, #tpu.memory_space<hbm>> -> memref<1x100000xf32, #tpu.memory_space<hbm>>
      %dma_start3A_51 = tpu.memref_squeeze %dma_start3A_50 : memref<1x100000xf32, #tpu.memory_space<hbm>> -> memref<100000xf32, #tpu.memory_space<hbm>>
      %dma_start3A_52 = arith.constant 0 : i32
      %dma_start3A_53 = tpu.memref_slice %arg2[%add3A_32, %dma_start3A_52] : memref<832x100000xf32, #tpu.memory_space<hbm>> -> memref<1x100000xf32, #tpu.memory_space<hbm>>
      %dma_start3A_54 = tpu.memref_squeeze %dma_start3A_53 : memref<1x100000xf32, #tpu.memory_space<hbm>> -> memref<100000xf32, #tpu.memory_space<hbm>>
      tpu.enqueue_dma source(%dma_start3A_54 : memref<100000xf32, #tpu.memory_space<hbm>>) target(%arg5 : memref<100000xf32, #tpu.memory_space<vmem>>) target_semaphore(%arg10 : memref<!tpu.dma_semaphore, #tpu.memory_space<semaphore_mem>>)
      %eq3A = arith.constant 0 : i32
      %eq3A_55 = arith.cmpi eq, %add3A_31, %eq3A : i32
      %jit3A_56 = arith.constant 32 : i32
      %eq3A_57 = arith.constant 0 : i32
      %eq3A_58 = arith.cmpi eq, %jit3A_56, %eq3A_57 : i32
      %jit3A_59 = arith.constant 1 : i32
      %select_n3A_60 = arith.select %eq3A_58, %jit3A_59, %jit3A_56 : i32
      %rem3A_61 = arith.remsi %add3A_32, %select_n3A_60 : i32
      %ne3A_62 = arith.constant 0 : i32
      %ne3A_63 = arith.cmpi ne, %rem3A_61, %ne3A_62 : i32
      %lt3A = arith.constant 0 : i32
      %lt3A_64 = arith.cmpi slt, %rem3A_61, %lt3A : i32
      %lt3A_65 = arith.constant 0 : i32
      %lt3A_66 = arith.cmpi slt, %select_n3A_60, %lt3A_65 : i32
      %ne3A_67 = arith.xori %lt3A_64, %lt3A_66 : i1
      %and3A_68 = arith.andi %ne3A_67, %ne3A_63 : i1
      %add3A_69 = arith.addi %rem3A_61, %select_n3A_60 : i32
      %select_n3A_70 = arith.select %and3A_68, %add3A_69, %rem3A_61 : i32
      %eq3A_71 = arith.constant 0 : i32
      %eq3A_72 = arith.cmpi eq, %select_n3A_70, %eq3A_71 : i32
      %or3A = arith.ori %eq3A_55, %eq3A_72 : i1
      %convert_element_type3A = arith.extui %or3A : i1 to i32
      %cond3A = arith.constant 0 : i32
      %cond3A_73 = arith.cmpi ne, %convert_element_type3A, %cond3A : i32
      scf.if %cond3A_73 {
        "tpu.region"() ({
          %run_scoped3A = tpu.sem_alloc : memref<!tpu.dma_semaphore, #tpu.memory_space<semaphore_mem>>
          %dma_start3A_125 = arith.constant 0 : i32
          %dma_start3A_126 = tpu.memref_slice %arg3[%select_n3A, %dma_start3A_125] : memref<26x16384xi32, #tpu.memory_space<hbm>> -> memref<1x16384xi32, #tpu.memory_space<hbm>>
          %dma_start3A_127 = tpu.memref_squeeze %dma_start3A_126 : memref<1x16384xi32, #tpu.memory_space<hbm>> -> memref<16384xi32, #tpu.memory_space<hbm>>
          %dma_start3A_128 = arith.constant 0 : i32
          %dma_start3A_129 = tpu.memref_slice %arg3[%select_n3A, %dma_start3A_128] : memref<26x16384xi32, #tpu.memory_space<hbm>> -> memref<1x16384xi32, #tpu.memory_space<hbm>>
          %dma_start3A_130 = tpu.memref_squeeze %dma_start3A_129 : memref<1x16384xi32, #tpu.memory_space<hbm>> -> memref<16384xi32, #tpu.memory_space<hbm>>
          tpu.enqueue_dma source(%dma_start3A_130 : memref<16384xi32, #tpu.memory_space<hbm>>) target(%arg6 : memref<16384xi32, #tpu.memory_space<vmem>>) target_semaphore(%run_scoped3A : memref<!tpu.dma_semaphore, #tpu.memory_space<semaphore_mem>>)
          %dma_wait3A_131 = arith.constant 0 : i32
          %dma_wait3A_132 = tpu.memref_slice %arg3[%select_n3A, %dma_wait3A_131] : memref<26x16384xi32, #tpu.memory_space<hbm>> -> memref<1x16384xi32, #tpu.memory_space<hbm>>
          %dma_wait3A_133 = tpu.memref_squeeze %dma_wait3A_132 : memref<1x16384xi32, #tpu.memory_space<hbm>> -> memref<16384xi32, #tpu.memory_space<hbm>>
          %dma_wait3A_134 = arith.constant 0 : i32
          %dma_wait3A_135 = tpu.memref_slice %arg3[%select_n3A, %dma_wait3A_134] : memref<26x16384xi32, #tpu.memory_space<hbm>> -> memref<1x16384xi32, #tpu.memory_space<hbm>>
          %dma_wait3A_136 = tpu.memref_squeeze %dma_wait3A_135 : memref<1x16384xi32, #tpu.memory_space<hbm>> -> memref<16384xi32, #tpu.memory_space<hbm>>
          tpu.wait_dma2 semaphore(%run_scoped3A : memref<!tpu.dma_semaphore, #tpu.memory_space<semaphore_mem>>) src(%dma_wait3A_136 : memref<16384xi32, #tpu.memory_space<hbm>>) dst(%arg6 : memref<16384xi32, #tpu.memory_space<vmem>>)
          tpu.yield
        }) : () -> ()
      } else {
      }
      %gt3A = arith.constant 0 : i32
      %gt3A_74 = arith.cmpi sgt, %add3A_31, %gt3A : i32
      %convert_element_type3A_75 = arith.extui %gt3A_74 : i1 to i32
      %cond3A_76 = arith.constant 0 : i32
      %cond3A_77 = arith.cmpi ne, %convert_element_type3A_75, %cond3A_76 : i32
      scf.if %cond3A_77 {
        %sub3A_125 = arith.constant 1 : i32
        %sub3A_126 = arith.subi %add3A_32, %sub3A_125 : i32
        %dma_wait3A_127 = arith.constant 4096 : i32
        %dma_wait3A_128 = tpu.memref_slice %arg4[%sub3A_126, %dma_wait3A_127] : memref<832x16384xf32, #tpu.memory_space<hbm>> -> memref<1x4096xf32, #tpu.memory_space<hbm>>
        %dma_wait3A_129 = tpu.memref_squeeze %dma_wait3A_128 : memref<1x4096xf32, #tpu.memory_space<hbm>> -> memref<4096xf32, #tpu.memory_space<hbm>>
        %dma_wait3A_130 = arith.constant 4096 : i32
        %dma_wait3A_131 = tpu.memref_slice %arg4[%sub3A_126, %dma_wait3A_130] : memref<832x16384xf32, #tpu.memory_space<hbm>> -> memref<1x4096xf32, #tpu.memory_space<hbm>>
        %dma_wait3A_132 = tpu.memref_squeeze %dma_wait3A_131 : memref<1x4096xf32, #tpu.memory_space<hbm>> -> memref<4096xf32, #tpu.memory_space<hbm>>
        tpu.wait_dma2 semaphore(%arg12 : memref<!tpu.dma_semaphore, #tpu.memory_space<semaphore_mem>>) src(%arg8 : memref<4096xf32, #tpu.memory_space<vmem>>) dst(%dma_wait3A_132 : memref<4096xf32, #tpu.memory_space<hbm>>)
        %dma_wait3A_133 = arith.constant 8192 : i32
        %dma_wait3A_134 = tpu.memref_slice %arg4[%sub3A_126, %dma_wait3A_133] : memref<832x16384xf32, #tpu.memory_space<hbm>> -> memref<1x4096xf32, #tpu.memory_space<hbm>>
        %dma_wait3A_135 = tpu.memref_squeeze %dma_wait3A_134 : memref<1x4096xf32, #tpu.memory_space<hbm>> -> memref<4096xf32, #tpu.memory_space<hbm>>
        %dma_wait3A_136 = arith.constant 8192 : i32
        %dma_wait3A_137 = tpu.memref_slice %arg4[%sub3A_126, %dma_wait3A_136] : memref<832x16384xf32, #tpu.memory_space<hbm>> -> memref<1x4096xf32, #tpu.memory_space<hbm>>
        %dma_wait3A_138 = tpu.memref_squeeze %dma_wait3A_137 : memref<1x4096xf32, #tpu.memory_space<hbm>> -> memref<4096xf32, #tpu.memory_space<hbm>>
        tpu.wait_dma2 semaphore(%arg13 : memref<!tpu.dma_semaphore, #tpu.memory_space<semaphore_mem>>) src(%arg9 : memref<4096xf32, #tpu.memory_space<vmem>>) dst(%dma_wait3A_138 : memref<4096xf32, #tpu.memory_space<hbm>>)
        %dma_wait3A_139 = arith.constant 12288 : i32
        %dma_wait3A_140 = tpu.memref_slice %arg4[%sub3A_126, %dma_wait3A_139] : memref<832x16384xf32, #tpu.memory_space<hbm>> -> memref<1x4096xf32, #tpu.memory_space<hbm>>
        %dma_wait3A_141 = tpu.memref_squeeze %dma_wait3A_140 : memref<1x4096xf32, #tpu.memory_space<hbm>> -> memref<4096xf32, #tpu.memory_space<hbm>>
        %dma_wait3A_142 = arith.constant 12288 : i32
        %dma_wait3A_143 = tpu.memref_slice %arg4[%sub3A_126, %dma_wait3A_142] : memref<832x16384xf32, #tpu.memory_space<hbm>> -> memref<1x4096xf32, #tpu.memory_space<hbm>>
        %dma_wait3A_144 = tpu.memref_squeeze %dma_wait3A_143 : memref<1x4096xf32, #tpu.memory_space<hbm>> -> memref<4096xf32, #tpu.memory_space<hbm>>
        tpu.wait_dma2 semaphore(%arg11 : memref<!tpu.dma_semaphore, #tpu.memory_space<semaphore_mem>>) src(%arg7 : memref<4096xf32, #tpu.memory_space<vmem>>) dst(%dma_wait3A_144 : memref<4096xf32, #tpu.memory_space<hbm>>)
      } else {
      }
      %dma_wait3A_78 = arith.constant 0 : i32
      %dma_wait3A_79 = tpu.memref_slice %arg2[%add3A_32, %dma_wait3A_78] : memref<832x100000xf32, #tpu.memory_space<hbm>> -> memref<1x100000xf32, #tpu.memory_space<hbm>>
      %dma_wait3A_80 = tpu.memref_squeeze %dma_wait3A_79 : memref<1x100000xf32, #tpu.memory_space<hbm>> -> memref<100000xf32, #tpu.memory_space<hbm>>
      %dma_wait3A_81 = arith.constant 0 : i32
      %dma_wait3A_82 = tpu.memref_slice %arg2[%add3A_32, %dma_wait3A_81] : memref<832x100000xf32, #tpu.memory_space<hbm>> -> memref<1x100000xf32, #tpu.memory_space<hbm>>
      %dma_wait3A_83 = tpu.memref_squeeze %dma_wait3A_82 : memref<1x100000xf32, #tpu.memory_space<hbm>> -> memref<100000xf32, #tpu.memory_space<hbm>>
      tpu.wait_dma2 semaphore(%arg10 : memref<!tpu.dma_semaphore, #tpu.memory_space<semaphore_mem>>) src(%dma_wait3A_83 : memref<100000xf32, #tpu.memory_space<hbm>>) dst(%arg5 : memref<100000xf32, #tpu.memory_space<vmem>>)
      %parallel_loop3A = arith.constant 0 : i32
      %parallel_loop3A_84 = arith.constant 256 : i32
      %parallel_loop3A_85 = arith.constant 1 : i32
      scf.for %parallel_loop3A_125 = %parallel_loop3A to %parallel_loop3A_84 step %parallel_loop3A_85  : i32 {
        %parallel_loop3A_126 = arith.constant 16 : i32
        %parallel_loop3A_127 = arith.muli %parallel_loop3A_125, %parallel_loop3A_126 : i32
        %parallel_loop3A_128 = arith.constant 0 : i32
        %parallel_loop3A_129 = arith.addi %parallel_loop3A_128, %parallel_loop3A_127 : i32
        %parallel_loop3A_130 = arith.index_cast %parallel_loop3A_129 : i32 to index
        %parallel_loop3A_131 = tpu.vector_load %arg6[%parallel_loop3A_130] {strides = array<i32>} : memref<16384xi32, #tpu.memory_space<vmem>>, vector<16xi32>,
        %parallel_loop3A_132 = tpu.vector_load_idx %arg5[%parallel_loop3A_131] : memref<100000xf32, #tpu.memory_space<vmem>>[vector<16xi32>], vector<16xf32>,
        %parallel_loop3A_133 = arith.constant 16 : i32
        %parallel_loop3A_134 = arith.muli %parallel_loop3A_125, %parallel_loop3A_133 : i32
        %parallel_loop3A_135 = arith.index_cast %parallel_loop3A_134 : i32 to index
        %parallel_loop3A_136 = tpu.vector_load %arg7[%parallel_loop3A_135] {strides = array<i32>} : memref<4096xf32, #tpu.memory_space<vmem>>, vector<16xf32>,
        tpu.vector_store %arg7[%parallel_loop3A_135], %parallel_loop3A_132 {strides = array<i32>} : memref<4096xf32, #tpu.memory_space<vmem>>, vector<16xf32>,
      } {sc.loop_unroll_factor = 16 : i64, sc.parallel_access}
      %dma_start3A_86 = arith.constant 0 : i32
      %dma_start3A_87 = tpu.memref_slice %arg4[%add3A_32, %dma_start3A_86] : memref<832x16384xf32, #tpu.memory_space<hbm>> -> memref<1x4096xf32, #tpu.memory_space<hbm>>
      %dma_start3A_88 = tpu.memref_squeeze %dma_start3A_87 : memref<1x4096xf32, #tpu.memory_space<hbm>> -> memref<4096xf32, #tpu.memory_space<hbm>>
      %dma_start3A_89 = arith.constant 0 : i32
      %dma_start3A_90 = tpu.memref_slice %arg4[%add3A_32, %dma_start3A_89] : memref<832x16384xf32, #tpu.memory_space<hbm>> -> memref<1x4096xf32, #tpu.memory_space<hbm>>
      %dma_start3A_91 = tpu.memref_squeeze %dma_start3A_90 : memref<1x4096xf32, #tpu.memory_space<hbm>> -> memref<4096xf32, #tpu.memory_space<hbm>>
      tpu.enqueue_dma source(%arg7 : memref<4096xf32, #tpu.memory_space<vmem>>) target(%dma_start3A_91 : memref<4096xf32, #tpu.memory_space<hbm>>) target_semaphore(%arg11 : memref<!tpu.dma_semaphore, #tpu.memory_space<semaphore_mem>>)
      %parallel_loop3A_92 = arith.constant 0 : i32
      %parallel_loop3A_93 = arith.constant 256 : i32
      %parallel_loop3A_94 = arith.constant 1 : i32
      scf.for %parallel_loop3A_125 = %parallel_loop3A_92 to %parallel_loop3A_93 step %parallel_loop3A_94  : i32 {
        %parallel_loop3A_126 = arith.constant 16 : i32
        %parallel_loop3A_127 = arith.muli %parallel_loop3A_125, %parallel_loop3A_126 : i32
        %parallel_loop3A_128 = arith.constant 4096 : i32
        %parallel_loop3A_129 = arith.addi %parallel_loop3A_128, %parallel_loop3A_127 : i32
        %parallel_loop3A_130 = arith.index_cast %parallel_loop3A_129 : i32 to index
        %parallel_loop3A_131 = tpu.vector_load %arg6[%parallel_loop3A_130] {strides = array<i32>} : memref<16384xi32, #tpu.memory_space<vmem>>, vector<16xi32>,
        %parallel_loop3A_132 = tpu.vector_load_idx %arg5[%parallel_loop3A_131] : memref<100000xf32, #tpu.memory_space<vmem>>[vector<16xi32>], vector<16xf32>,
        %parallel_loop3A_133 = arith.constant 16 : i32
        %parallel_loop3A_134 = arith.muli %parallel_loop3A_125, %parallel_loop3A_133 : i32
        %parallel_loop3A_135 = arith.index_cast %parallel_loop3A_134 : i32 to index
        %parallel_loop3A_136 = tpu.vector_load %arg8[%parallel_loop3A_135] {strides = array<i32>} : memref<4096xf32, #tpu.memory_space<vmem>>, vector<16xf32>,
        tpu.vector_store %arg8[%parallel_loop3A_135], %parallel_loop3A_132 {strides = array<i32>} : memref<4096xf32, #tpu.memory_space<vmem>>, vector<16xf32>,
      } {sc.loop_unroll_factor = 16 : i64, sc.parallel_access}
      %dma_start3A_95 = arith.constant 4096 : i32
      %dma_start3A_96 = tpu.memref_slice %arg4[%add3A_32, %dma_start3A_95] : memref<832x16384xf32, #tpu.memory_space<hbm>> -> memref<1x4096xf32, #tpu.memory_space<hbm>>
      %dma_start3A_97 = tpu.memref_squeeze %dma_start3A_96 : memref<1x4096xf32, #tpu.memory_space<hbm>> -> memref<4096xf32, #tpu.memory_space<hbm>>
      %dma_start3A_98 = arith.constant 4096 : i32
      %dma_start3A_99 = tpu.memref_slice %arg4[%add3A_32, %dma_start3A_98] : memref<832x16384xf32, #tpu.memory_space<hbm>> -> memref<1x4096xf32, #tpu.memory_space<hbm>>
      %dma_start3A_100 = tpu.memref_squeeze %dma_start3A_99 : memref<1x4096xf32, #tpu.memory_space<hbm>> -> memref<4096xf32, #tpu.memory_space<hbm>>
      tpu.enqueue_dma source(%arg8 : memref<4096xf32, #tpu.memory_space<vmem>>) target(%dma_start3A_100 : memref<4096xf32, #tpu.memory_space<hbm>>) target_semaphore(%arg12 : memref<!tpu.dma_semaphore, #tpu.memory_space<semaphore_mem>>)
      %parallel_loop3A_101 = arith.constant 0 : i32
      %parallel_loop3A_102 = arith.constant 256 : i32
      %parallel_loop3A_103 = arith.constant 1 : i32
      scf.for %parallel_loop3A_125 = %parallel_loop3A_101 to %parallel_loop3A_102 step %parallel_loop3A_103  : i32 {
        %parallel_loop3A_126 = arith.constant 16 : i32
        %parallel_loop3A_127 = arith.muli %parallel_loop3A_125, %parallel_loop3A_126 : i32
        %parallel_loop3A_128 = arith.constant 8192 : i32
        %parallel_loop3A_129 = arith.addi %parallel_loop3A_128, %parallel_loop3A_127 : i32
        %parallel_loop3A_130 = arith.index_cast %parallel_loop3A_129 : i32 to index
        %parallel_loop3A_131 = tpu.vector_load %arg6[%parallel_loop3A_130] {strides = array<i32>} : memref<16384xi32, #tpu.memory_space<vmem>>, vector<16xi32>,
        %parallel_loop3A_132 = tpu.vector_load_idx %arg5[%parallel_loop3A_131] : memref<100000xf32, #tpu.memory_space<vmem>>[vector<16xi32>], vector<16xf32>,
        %parallel_loop3A_133 = arith.constant 16 : i32
        %parallel_loop3A_134 = arith.muli %parallel_loop3A_125, %parallel_loop3A_133 : i32
        %parallel_loop3A_135 = arith.index_cast %parallel_loop3A_134 : i32 to index
        %parallel_loop3A_136 = tpu.vector_load %arg9[%parallel_loop3A_135] {strides = array<i32>} : memref<4096xf32, #tpu.memory_space<vmem>>, vector<16xf32>,
        tpu.vector_store %arg9[%parallel_loop3A_135], %parallel_loop3A_132 {strides = array<i32>} : memref<4096xf32, #tpu.memory_space<vmem>>, vector<16xf32>,
      } {sc.loop_unroll_factor = 16 : i64, sc.parallel_access}
      %dma_start3A_104 = arith.constant 8192 : i32
      %dma_start3A_105 = tpu.memref_slice %arg4[%add3A_32, %dma_start3A_104] : memref<832x16384xf32, #tpu.memory_space<hbm>> -> memref<1x4096xf32, #tpu.memory_space<hbm>>
      %dma_start3A_106 = tpu.memref_squeeze %dma_start3A_105 : memref<1x4096xf32, #tpu.memory_space<hbm>> -> memref<4096xf32, #tpu.memory_space<hbm>>
      %dma_start3A_107 = arith.constant 8192 : i32
      %dma_start3A_108 = tpu.memref_slice %arg4[%add3A_32, %dma_start3A_107] : memref<832x16384xf32, #tpu.memory_space<hbm>> -> memref<1x4096xf32, #tpu.memory_space<hbm>>
      %dma_start3A_109 = tpu.memref_squeeze %dma_start3A_108 : memref<1x4096xf32, #tpu.memory_space<hbm>> -> memref<4096xf32, #tpu.memory_space<hbm>>
      tpu.enqueue_dma source(%arg9 : memref<4096xf32, #tpu.memory_space<vmem>>) target(%dma_start3A_109 : memref<4096xf32, #tpu.memory_space<hbm>>) target_semaphore(%arg13 : memref<!tpu.dma_semaphore, #tpu.memory_space<semaphore_mem>>)
      %dma_wait3A_110 = arith.constant 0 : i32
      %dma_wait3A_111 = tpu.memref_slice %arg4[%add3A_32, %dma_wait3A_110] : memref<832x16384xf32, #tpu.memory_space<hbm>> -> memref<1x4096xf32, #tpu.memory_space<hbm>>
      %dma_wait3A_112 = tpu.memref_squeeze %dma_wait3A_111 : memref<1x4096xf32, #tpu.memory_space<hbm>> -> memref<4096xf32, #tpu.memory_space<hbm>>
      %dma_wait3A_113 = arith.constant 0 : i32
      %dma_wait3A_114 = tpu.memref_slice %arg4[%add3A_32, %dma_wait3A_113] : memref<832x16384xf32, #tpu.memory_space<hbm>> -> memref<1x4096xf32, #tpu.memory_space<hbm>>
      %dma_wait3A_115 = tpu.memref_squeeze %dma_wait3A_114 : memref<1x4096xf32, #tpu.memory_space<hbm>> -> memref<4096xf32, #tpu.memory_space<hbm>>
      tpu.wait_dma2 semaphore(%arg11 : memref<!tpu.dma_semaphore, #tpu.memory_space<semaphore_mem>>) src(%arg7 : memref<4096xf32, #tpu.memory_space<vmem>>) dst(%dma_wait3A_115 : memref<4096xf32, #tpu.memory_space<hbm>>)
      %parallel_loop3A_116 = arith.constant 0 : i32
      %parallel_loop3A_117 = arith.constant 256 : i32
      %parallel_loop3A_118 = arith.constant 1 : i32
      scf.for %parallel_loop3A_125 = %parallel_loop3A_116 to %parallel_loop3A_117 step %parallel_loop3A_118  : i32 {
        %parallel_loop3A_126 = arith.constant 16 : i32
        %parallel_loop3A_127 = arith.muli %parallel_loop3A_125, %parallel_loop3A_126 : i32
        %parallel_loop3A_128 = arith.constant 12288 : i32
        %parallel_loop3A_129 = arith.addi %parallel_loop3A_128, %parallel_loop3A_127 : i32
        %parallel_loop3A_130 = arith.index_cast %parallel_loop3A_129 : i32 to index
        %parallel_loop3A_131 = tpu.vector_load %arg6[%parallel_loop3A_130] {strides = array<i32>} : memref<16384xi32, #tpu.memory_space<vmem>>, vector<16xi32>,
        %parallel_loop3A_132 = tpu.vector_load_idx %arg5[%parallel_loop3A_131] : memref<100000xf32, #tpu.memory_space<vmem>>[vector<16xi32>], vector<16xf32>,
        %parallel_loop3A_133 = arith.constant 16 : i32
        %parallel_loop3A_134 = arith.muli %parallel_loop3A_125, %parallel_loop3A_133 : i32
        %parallel_loop3A_135 = arith.index_cast %parallel_loop3A_134 : i32 to index
        %parallel_loop3A_136 = tpu.vector_load %arg7[%parallel_loop3A_135] {strides = array<i32>} : memref<4096xf32, #tpu.memory_space<vmem>>, vector<16xf32>,
        tpu.vector_store %arg7[%parallel_loop3A_135], %parallel_loop3A_132 {strides = array<i32>} : memref<4096xf32, #tpu.memory_space<vmem>>, vector<16xf32>,
      } {sc.loop_unroll_factor = 16 : i64, sc.parallel_access}
      %dma_start3A_119 = arith.constant 12288 : i32
      %dma_start3A_120 = tpu.memref_slice %arg4[%add3A_32, %dma_start3A_119] : memref<832x16384xf32, #tpu.memory_space<hbm>> -> memref<1x4096xf32, #tpu.memory_space<hbm>>
      %dma_start3A_121 = tpu.memref_squeeze %dma_start3A_120 : memref<1x4096xf32, #tpu.memory_space<hbm>> -> memref<4096xf32, #tpu.memory_space<hbm>>
      %dma_start3A_122 = arith.constant 12288 : i32
      %dma_start3A_123 = tpu.memref_slice %arg4[%add3A_32, %dma_start3A_122] : memref<832x16384xf32, #tpu.memory_space<hbm>> -> memref<1x4096xf32, #tpu.memory_space<hbm>>
      %dma_start3A_124 = tpu.memref_squeeze %dma_start3A_123 : memref<1x4096xf32, #tpu.memory_space<hbm>> -> memref<4096xf32, #tpu.memory_space<hbm>>
      tpu.enqueue_dma source(%arg7 : memref<4096xf32, #tpu.memory_space<vmem>>) target(%dma_start3A_124 : memref<4096xf32, #tpu.memory_space<hbm>>) target_semaphore(%arg11 : memref<!tpu.dma_semaphore, #tpu.memory_space<semaphore_mem>>)
    }
    %scan3A_6 = arith.constant 26 : i32
    %add3A_7 = arith.constant 26 : i32
    %add3A_8 = arith.addi %mul3A_2, %add3A_7 : i32
    %sub3A = arith.constant 1 : i32
    %sub3A_9 = arith.subi %add3A_8, %sub3A : i32
    %dma_wait3A = arith.constant 4096 : i32
    %dma_wait3A_10 = tpu.memref_slice %arg4[%sub3A_9, %dma_wait3A] : memref<832x16384xf32, #tpu.memory_space<hbm>> -> memref<1x4096xf32, #tpu.memory_space<hbm>>
    %dma_wait3A_11 = tpu.memref_squeeze %dma_wait3A_10 : memref<1x4096xf32, #tpu.memory_space<hbm>> -> memref<4096xf32, #tpu.memory_space<hbm>>
    %dma_wait3A_12 = arith.constant 4096 : i32
    %dma_wait3A_13 = tpu.memref_slice %arg4[%sub3A_9, %dma_wait3A_12] : memref<832x16384xf32, #tpu.memory_space<hbm>> -> memref<1x4096xf32, #tpu.memory_space<hbm>>
    %dma_wait3A_14 = tpu.memref_squeeze %dma_wait3A_13 : memref<1x4096xf32, #tpu.memory_space<hbm>> -> memref<4096xf32, #tpu.memory_space<hbm>>
    tpu.wait_dma2 semaphore(%arg12 : memref<!tpu.dma_semaphore, #tpu.memory_space<semaphore_mem>>) src(%arg8 : memref<4096xf32, #tpu.memory_space<vmem>>) dst(%dma_wait3A_14 : memref<4096xf32, #tpu.memory_space<hbm>>)
    %dma_wait3A_15 = arith.constant 8192 : i32
    %dma_wait3A_16 = tpu.memref_slice %arg4[%sub3A_9, %dma_wait3A_15] : memref<832x16384xf32, #tpu.memory_space<hbm>> -> memref<1x4096xf32, #tpu.memory_space<hbm>>
    %dma_wait3A_17 = tpu.memref_squeeze %dma_wait3A_16 : memref<1x4096xf32, #tpu.memory_space<hbm>> -> memref<4096xf32, #tpu.memory_space<hbm>>
    %dma_wait3A_18 = arith.constant 8192 : i32
    %dma_wait3A_19 = tpu.memref_slice %arg4[%sub3A_9, %dma_wait3A_18] : memref<832x16384xf32, #tpu.memory_space<hbm>> -> memref<1x4096xf32, #tpu.memory_space<hbm>>
    %dma_wait3A_20 = tpu.memref_squeeze %dma_wait3A_19 : memref<1x4096xf32, #tpu.memory_space<hbm>> -> memref<4096xf32, #tpu.memory_space<hbm>>
    tpu.wait_dma2 semaphore(%arg13 : memref<!tpu.dma_semaphore, #tpu.memory_space<semaphore_mem>>) src(%arg9 : memref<4096xf32, #tpu.memory_space<vmem>>) dst(%dma_wait3A_20 : memref<4096xf32, #tpu.memory_space<hbm>>)
    %dma_wait3A_21 = arith.constant 12288 : i32
    %dma_wait3A_22 = tpu.memref_slice %arg4[%sub3A_9, %dma_wait3A_21] : memref<832x16384xf32, #tpu.memory_space<hbm>> -> memref<1x4096xf32, #tpu.memory_space<hbm>>
    %dma_wait3A_23 = tpu.memref_squeeze %dma_wait3A_22 : memref<1x4096xf32, #tpu.memory_space<hbm>> -> memref<4096xf32, #tpu.memory_space<hbm>>
    %dma_wait3A_24 = arith.constant 12288 : i32
    %dma_wait3A_25 = tpu.memref_slice %arg4[%sub3A_9, %dma_wait3A_24] : memref<832x16384xf32, #tpu.memory_space<hbm>> -> memref<1x4096xf32, #tpu.memory_space<hbm>>
    %dma_wait3A_26 = tpu.memref_squeeze %dma_wait3A_25 : memref<1x4096xf32, #tpu.memory_space<hbm>> -> memref<4096xf32, #tpu.memory_space<hbm>>
    tpu.wait_dma2 semaphore(%arg11 : memref<!tpu.dma_semaphore, #tpu.memory_space<semaphore_mem>>) src(%arg7 : memref<4096xf32, #tpu.memory_space<vmem>>) dst(%dma_wait3A_26 : memref<4096xf32, #tpu.memory_space<hbm>>)
    return
  }
}

module attributes {stable_mosaic.version = 14 : i64} {
  func.func @body(%arg0: i32, %arg1: memref<832x4096xf32, #tpu.memory_space<vmem>>, %arg2: memref<832x128xf32, #tpu.memory_space<vmem>>, %arg3: memref<1x128xf32, #tpu.memory_space<vmem>>, %arg4: memref<4096x128xf32, #tpu.memory_space<vmem>>) attributes {dimension_semantics = [#tpu.dimension_semantics<arbitrary>], iteration_bounds = array<i64: 4>, scalar_prefetch = 0 : i64, scratch_operands = 0 : i64, tpu.core_type = #tpu.core_type<tc>, window_params = [{transform_indices = @transform_0, window_bounds = array<i64: 832, 4096>}, {pipeline_mode = #tpu.pipeline_mode<synchronous>, transform_indices = @transform_1, window_bounds = array<i64: 832, 128>}, {pipeline_mode = #tpu.pipeline_mode<synchronous>, transform_indices = @transform_2, window_bounds = array<i64: 1, 128>}, {transform_indices = @transform_3, window_bounds = array<i64: 4096, 128>}]} {
    %get3A = arith.constant 0 : index
    %get3A_0 = arith.constant 0 : index
    %get3A_1 = vector.load %arg1[%get3A, %get3A_0] : memref<832x4096xf32, #tpu.memory_space<vmem>>, vector<832x4096xf32>
    %convert_element_type3A = arith.truncf %get3A_1 : vector<832x4096xf32> to vector<832x4096xbf16>
    %get3A_2 = arith.constant 0 : index
    %get3A_3 = arith.constant 0 : index
    %get3A_4 = vector.load %arg2[%get3A_2, %get3A_3] : memref<832x128xf32, #tpu.memory_space<vmem>>, vector<832x128xf32>
    %convert_element_type3A_5 = arith.truncf %get3A_4 : vector<832x128xf32> to vector<832x128xbf16>
    %dot_general3A = arith.constant dense<0.000000e+00> : vector<4096x128xf32>
    %dot_general3A_6 = tpu.matmul %convert_element_type3A, %convert_element_type3A_5, %dot_general3A {dimension_numbers = #tpu.dot_dimension_numbers<[0], [0], [1], [1], [0, 1, 1, 1], [], []>, transpose_lhs_hint = false} : vector<832x4096xbf16>, vector<832x128xbf16>, vector<4096x128xf32> -> vector<4096x128xf32>
    %get3A_7 = arith.constant 0 : index
    %get3A_8 = arith.constant 0 : index
    %get3A_9 = vector.load %arg3[%get3A_7, %get3A_8] : memref<1x128xf32, #tpu.memory_space<vmem>>, vector<1x128xf32>
    %add3A = vector.broadcast %get3A_9 : vector<1x128xf32> to vector<4096x128xf32>
    %add3A_10 = arith.addf %dot_general3A_6, %add3A : vector<4096x128xf32>
    %swap3A = arith.constant 0 : index
    %swap3A_11 = arith.constant 0 : index
    %swap3A_12 = vector.load %arg4[%swap3A, %swap3A_11] : memref<4096x128xf32, #tpu.memory_space<vmem>>, vector<4096x128xf32>
    tpu.vector_store %arg4[%swap3A, %swap3A_11], %add3A_10 {strides = array<i32>} : memref<4096x128xf32, #tpu.memory_space<vmem>>, vector<4096x128xf32>,
    return
  }
  func.func @transform_0(%arg0: i32) -> (i32, i32) {
    %c0_i32 = arith.constant 0 : i32
    %c0_i32_0 = arith.constant 0 : i32
    return %c0_i32, %arg0 : i32, i32
  }
  func.func @transform_1(%arg0: i32) -> (i32, i32) {
    %c0_i32 = arith.constant 0 : i32
    %c0_i32_0 = arith.constant 0 : i32
    %c0_i32_1 = arith.constant 0 : i32
    return %c0_i32, %c0_i32_0 : i32, i32
  }
  func.func @transform_2(%arg0: i32) -> (i32, i32) {
    %c0_i32 = arith.constant 0 : i32
    %c0_i32_0 = arith.constant 0 : i32
    %c0_i32_1 = arith.constant 0 : i32
    return %c0_i32, %c0_i32_0 : i32, i32
  }
  func.func @transform_3(%arg0: i32) -> (i32, i32) {
    %c0_i32 = arith.constant 0 : i32
    %c0_i32_0 = arith.constant 0 : i32
    return %arg0, %c0_i32 : i32, i32
  }
}

</mosaic_0001>

<sc_bundles>
// kernel: kernel.4.cloned.1.call-start
scs
__scs_entry_jumppad:
0x0: {  	(pc) =	sbr.rel $0x88, $3  }
0x1: {  	(tag) =	ssettag $0x0;
	lr =	simm.s32 $0x1  }
0x2: {  	[smem:$0x3F9D] =	sst lr;
	_ =	strace $0xD0000000  }
0x3: {  	_ = 	snop  }
0x4: {  	_ = 	snop  }
0x5: {  	_ = 	snop  }
0x6: {  	_ = 	snop  }
0x7: {  	_ = 	snop  }
__scs_overlays_trampoline_lowered:
0x8: {  	[smem:$0x3FAC] =	sst s0  }
0x9: {  	[smem:$0x3FAD] =	sst s1  }
0xa: {  	[smem:$0x3FAE] =	sst s2  }
0xb: {  	[smem:$0x3FAF] =	sst s3  }
0xc: {  	[smem:$0x3FB0] =	sst s4  }
0xd: {  	[smem:$0x3FB1] =	sst s5  }
0xe: {  	[smem:$0x3FB2] =	sst s6  }
0xf: {  	[smem:$0x3FB3] =	sst s7  }
0x10: {  	[smem:$0x3FB4] =	sst s8  }
0x11: {  	[smem:$0x3FB5] =	sst s9;
	s0 =	simm.s32 @!p0 $0x0  }
0x12: {  	s1 =	sld [smem:$0x3F9B];
	s0 =	simm.s32 @p0 $0x1  }
0x13: {  	[smem:$0x3FB6] =	sst s0;
	s0 =	simm.s32 @!p1 $0x0  }
0x14: {  	s2 =	sld [smem:$0x3F9A];
	s0 =	simm.s32 @p1 $0x1  }
0x15: {  	[smem:$0x3FB7] =	sst s0;
	s0 =	simm.s32 @!p2 $0x0  }
0x16: {  	s3 =	sld [smem:$0x3FDB];
	s0 =	simm.s32 @p2 $0x1  }
0x17: {  	s4 =	simm.s32 $0x1BF5;
	[smem:$0x3FB9] =	sst s0  }
0x18: {  	s0 =	sld [smem:$0x3F9C];
	_ =	swait.ge [sflag:s4], $0x0  }
0x19: {  	s7 =	sld [smem:$0x3F9D]  }
0x1a: {  	s8 =	sadd.s32 $0xFFFFE003, lr  }
0x1b: {  	s9 =	sadd.s32 $0xFFFFFEF7, lr;
	s5 =	simm.s32 $0xFFFFFFFF;
	p2 =	slt.u32 s8, $0xFFFFF086  }
0x1c: {  	p1 =	slt.u32 s9, $0xF7A;
	s5 =	simm.s32 @!p2 $0x0  }
0x1d: {  	s5 =	simm.s32 @p1 $0x1;
	p0 =	seq.s32 s7, s2  }
0x1e: {  	s7 =	smul.u32 @!p0 $0xF7A, s2;
	p2 =	seq.s32 @!p0 s5, $0x0  }
0x1f: {  	s9 =	smul.u32 $0xF7A, s1;
	s8 =	simm.s32 @!p0 $0x1BF5;
	p2 =	por !p2, p0  }
0x20: {  	[sflag:s8] =	ssyncset.s32 @!p0 $0xFFFFF086;
	s6 =	sadd.s32 @!p0 s3, s7;
	s7 =	simm.s32 @!p0 $0x108  }
0x21: {  	s3 =	sadd.s32 s3, s9;
	s6 =	sadd.s32 @!p0 $0x88, s6;
	s7 =	simm.s32 @p2 $0x1082  }
0x22: {  	[simem:s7], [sflag:s8] =	dma.local @!p0 [hbm:s6], $0xF7A  }
0x23: {  	s9 =	sor.u32 $0xD0000000, s2;
	s6 =	simm.s32 $0x108;
	_ =	swait.ge @!p0 [sflag:s8], $0x0  }
0x24: {  	s3 =	sadd.s32 $0x88, s3;
	s6 =	simm.s32 @!p1 $0x1082;
	[sflag:s4] =	ssyncset.s32 $0xFFFFF086  }
0x25: {  	[simem:s6], [sflag:s4] =	dma.local [hbm:s3], $0xF7A  }
0x26: {  	[smem:$0x3F9D] =	sst s1;
	(tag) =	ssettag s2;
	_ =	strace s9  }
0x27: {  	s1 =	sld [smem:$0x3FAD]  }
0x28: {  	s2 =	sld [smem:$0x3FAE]  }
0x29: {  	s4 =	sld [smem:$0x3FB0]  }
0x2a: {  	p0 =	seq.s32 s5, $0x0;
	s5 =	sld [smem:$0x3FB1]  }
0x2b: {  	s6 =	sld [smem:$0x3FB2]  }
0x2c: {  	s7 =	sld [smem:$0x3FB3]  }
0x2d: {  	s3 =	simm.s32 $0x108;
	s8 =	sld [smem:$0x3FB4]  }
0x2e: {  	s3 =	simm.s32 @!p0 $0x1082;
	s9 =	sld [smem:$0x3FB5]  }
0x2f: {  	lr =	sadd.s32 s0, s3;
	s0 =	sld [smem:$0x3FAC]  }
0x30: {  	s3 =	sld [smem:$0x3FAF]  }
0x31: {  	[smem:$0x3FB8] =	sst s10  }
0x32: {  	s10 =	sld [smem:$0x3FB6];
	_ =	sdelay $0x3  }
0x33: {  	p0 =	seq.s32 s10, $0x1;
	s10 =	sld [smem:$0x3FB8];
	_ =	sdelay $0x3  }
0x34: {  	[smem:$0x3FB8] =	sst s10  }
0x35: {  	s10 =	sld [smem:$0x3FB7];
	_ =	sdelay $0x3  }
0x36: {  	p1 =	seq.s32 s10, $0x1;
	s10 =	sld [smem:$0x3FB8];
	_ =	sdelay $0x3  }
0x37: {  	[smem:$0x3FB8] =	sst s10  }
0x38: {  	s10 =	sld [smem:$0x3FB9]  }
0x39: {  	_ = 	snop;
	(pc) =	sbr.ind lr, $3  }
0x3a: {  	_ = 	snop  }
0x3b: {  	_ = 	snop  }
0x3c: {  	p2 =	seq.s32 s10, $0x1;
	s10 =	sld [smem:$0x3FB8]  }
0x3d: {  	_ =	shalt  }
0x3e: {  	_ =	shalt  }
0x3f: {  	_ =	shalt  }
0x40: {  	_ =	shalt  }
0x41: {  	_ =	shalt  }
0x42: {  	_ =	shalt  }
0x43: {  	_ =	shalt  }
0x44: {  	_ =	shalt  }
0x45: {  	_ =	shalt  }
0x46: {  	_ =	shalt  }
0x47: {  	_ =	shalt  }
0x48: {  	_ =	shalt  }
0x49: {  	_ =	shalt  }
0x4a: {  	_ =	shalt  }
0x4b: {  	_ =	shalt  }
0x4c: {  	_ =	shalt  }
0x4d: {  	_ =	shalt  }
0x4e: {  	_ =	shalt  }
0x4f: {  	_ =	shalt  }
0x50: {  	_ =	shalt  }
0x51: {  	_ =	shalt  }
0x52: {  	_ =	shalt  }
0x53: {  	_ =	shalt  }
0x54: {  	_ =	shalt  }
0x55: {  	_ =	shalt  }
0x56: {  	_ =	shalt  }
0x57: {  	_ =	shalt  }
0x58: {  	_ =	shalt  }
0x59: {  	_ =	shalt  }
0x5a: {  	_ =	shalt  }
0x5b: {  	_ =	shalt  }
0x5c: {  	_ =	shalt  }
0x5d: {  	_ =	shalt  }
0x5e: {  	_ =	shalt  }
0x5f: {  	_ =	shalt  }
0x60: {  	_ =	shalt  }
0x61: {  	_ =	shalt  }
0x62: {  	_ =	shalt  }
0x63: {  	_ =	shalt  }
0x64: {  	_ =	shalt  }
0x65: {  	_ =	shalt  }
0x66: {  	_ =	shalt  }
0x67: {  	_ =	shalt  }
0x68: {  	_ =	shalt  }
0x69: {  	_ =	shalt  }
0x6a: {  	_ =	shalt  }
0x6b: {  	_ =	shalt  }
0x6c: {  	_ =	shalt  }
0x6d: {  	_ =	shalt  }
0x6e: {  	_ =	shalt  }
0x6f: {  	_ =	shalt  }
0x70: {  	_ =	shalt  }
0x71: {  	_ =	shalt  }
0x72: {  	_ =	shalt  }
0x73: {  	_ =	shalt  }
0x74: {  	_ =	shalt  }
0x75: {  	_ =	shalt  }
0x76: {  	_ =	shalt  }
0x77: {  	_ =	shalt  }
0x78: {  	_ =	shalt  }
0x79: {  	_ =	shalt  }
0x7a: {  	_ =	shalt  }
0x7b: {  	_ =	shalt  }
0x7c: {  	_ =	shalt  }
0x7d: {  	_ =	shalt  }
0x7e: {  	_ =	shalt  }
0x7f: {  	_ =	shalt  }
0x80: {  	_ =	shalt  }
0x81: {  	_ =	shalt  }
0x82: {  	_ =	shalt  }
0x83: {  	_ =	shalt  }
0x84: {  	_ =	shalt  }
0x85: {  	_ =	shalt  }
0x86: {  	_ =	shalt  }
0x87: {  	_ =	shalt  }
.Lfunc_end0:
.L_simem_size_0:
called_computation_lowered:
.L_overlay_start_0:
0x88: {  	s2 =	sld [smem:$0x3FD9]  }
0x89: {  	s3 =	sld [smem:$0x3FFE];
	_ =	sdelay $0x1  }
0x8a: {  	s1 =	srdreg.scid  }
0x8b: {  	s0 =	sand.u32 $0x1, s1  }
0x8c: {  	s17 =	sshll.u32 s0, $0xA;
	s2 =	sadd.s32 s3, s2  }
0x8d: {  	s2 =	sadd.s32 s2, s17  }
0x8e: {  	[smem:$0x3FC4] =	sst s2  }
0x8f: {  	_ = 	snop  }
0x90: {  	s2 =	sld [smem:$0x3FC9]  }
0x91: {  	s18 =	sld [smem:$0x3FC8];
	(tm) =	ssettm $0x1  }
0x92: {  	s4 =	sld [smem:$0x3FFB];
	_ =	sdelay $0x3  }
0x93: {  	_ =	strace s4  }
0x94: {  	s4 =	sld [smem:$0x3FFC];
	_ =	sdelay $0x3  }
0x95: {  	_ =	strace s4  }
0x96: {  	s4 =	sld [smem:$0x3FFD];
	_ =	sdelay $0x3  }
0x97: {  	_ =	strace s4  }
0x98: {  	_ =	strace $0x8FFFFFFF  }
0x99: {  	s19 =	sld [smem:$0x3FDB];
	_ =	sdelay $0x1  }
0x9a: {  	s5 =	simm.s32 $_scs_section_size  }
0x9b: {  	s6 =	simm.s32 $_size__tile_overlayer_lowered;
	s7 =	simm.s32 $_tile_overlayer_lowered  }
0x9c: {  	s22 =	simm.s32 $0x1BFF;
	s21 =	sshll.u32 s7, $0x1;
	s4 =	sadd.s32 s5, s19  }
0x9d: {  	s8 =	simm.s32 $0x0;
	s20 =	sshll.u32 s6, $0x1;
	s6 =	sadd.s32 s21, s4  }
0x9e: {  	[timem:s8], [sflag:s22] =	dma.local [hbm:s6], s20  }
0x9f: {  	_ =	swait.ge [sflag:s22], s20  }
0xa0: {  	s5 =	ssub.s32 $0x0, s20;
	[sflag:s22] =	ssyncset.done $0x0  }
0xa1: {  	[sflag:s22] =	ssyncadd.s32 s5;
	_ =	sdelay $0x1  }
0xa2: {  	s23 =	simm.s32 $0x1B8B  }
0xa3: {  	_ =	swait.ge [sflag:s23], $0x1  }
0xa4: {  	[sflag:s23] =	ssyncset.done $0x0  }
0xa5: {  	s25 =	simm.s32 $0x1B8E;
	s24 =	sld [smem:$0x3FFE];
	[sflag:s23] =	ssyncadd.s32 $0xFFFFFFFF  }
0xa6: {  	s26 =	simm.s32 $execute0_lowered;
	[smem:$0x3FD2] =	sst s25  }
0xa7: {  	s6 =	sshll.u32 s26, $0x1;
	_ =	strace $0x80000046;
	[dreg:$0x1] =	wrdreg $0xFFFFFFFF  }
0xa8: {  	s28 =	simm.s32 $_size_execute0_lowered;
	s4 =	sadd.s32 s4, s6;
	[dreg:$0x0] =	wrdreg $0x0  }
0xa9: {  	s6 =	sshll.u32 s28, $0x1;
	[dreg:$0x2] =	wrdreg s4  }
0xaa: {  	[dreg:$0x3] =	wrdreg s6  }
0xab: {  	[dreg:$0x4] =	wrdreg $0xC0  }
0xac: {  	_ =	task [dreg:s8], $0x5FFFF  }
0xad: {  	[dreg:$0x1] =	wrdreg $0xFFFFFFFF  }
0xae: {  	[dreg:$0x0] =	wrdreg $0x60  }
0xaf: {  	[dreg:$0x2] =	wrdreg s18  }
0xb0: {  	[dreg:$0x3] =	wrdreg s2  }
0xb1: {  	[dreg:$0x4] =	wrdreg s24  }
0xb2: {  	[dreg:$0x5] =	wrdreg $0x9  }
0xb3: {  	_ =	task.clear_ibuf [dreg:s8], $0x6FFFF;
	_ =	strace $0x90000046  }
0xb4: {  	s29 =	simm.s32 $0x9;
	_ =	strace $0x80000048  }
0xb5: {  	_ =	swait.ge [sflag:s29], $0x1  }
0xb6: {  	[sflag:s29] =	ssyncadd.s32 $0xFFFFFFFF  }
0xb7: {  	_ =	strace $0x90000048  }
0xb8: {  	_ =	sfence  }
0xb9: {  	s30 =	sld [smem:$0x0];
	_ =	sdelay $0x2  }
0xba: {  	s31 =	sshll.u32 s1, $0xD;
	s1 =	sshrl.u32 s1, $0x2  }
0xbb: {  	s3 =	sand.u32 $0x4000, s31;
	s1 =	sadd.s32 s1, s30  }
0xbc: {  	s0 =	sor.u32 s3, s0;
	s1 =	sshll.u32 s1, $0x11  }
0xbd: {  	s0 =	sor.u32 s1, s0  }
0xbe: {  	s0 =	sadd.s32 $0x8F2B, s0  }
0xbf: {  	[sflag:s0] =	ssyncadd.remote.s32 $0x1  }
0xc0: {  	_ =	sfence.sel $0xFFFF  }
0xc1: {  	[dreg:$0x0] =	wrdreg $0xFFFFFFFF;
	(pc) =	sbr.abs _section_cstart, $3  }
0xc2: {  	[dreg:$0x1] =	wrdreg $0xFFFFFFFF  }
0xc3: {  	_ =	task.clear_ibuf [dreg:s8], $0x2FFFF;
	_ =	strace $0x9FFFFFFF  }
0xc4: {  	(tm) =	ssettm $0x7FFFFFFF  }
0xc5: {  	_ =	shalt  }
tec
execute0_lowered:
.L_overlay_start_1:
0x0: {  	(tag) =	ssettag $0x1  }
0x1: {  	s1 =	rddreg [dreg:$0x0]  }
0x2: {  	s2 =	rddreg [dreg:$0x1]  }
0x3: {  	s9 =	rddreg [dreg:$0x2];
	s3 =	srdreg.scid  }
0x4: {  	s0 =	rddreg [dreg:$0x3];
	s4 =	simm.s32 $0x0;
	s12 =	simm.s32 $0x400  }
0x5: {  	s13 =	simm.s32 $0x1;
	s14 =	simm.s32 $0x1C700;
	s15 =	simm.s32 $0x1D700  }
0x6: {  	s16 =	simm.s32 $0x1E700;
	s17 =	simm.s32 $0x2;
	s18 =	simm.s32 $0x3  }
0x7: {  	s19 =	simm.s32 $0x4;
	s20 =	simm.s32 $0x0;
	s6 =	sand.u32 $0x1, s3  }
0x8: {  	[smem:$0x7FF] =	sst s4;
	s3 =	stileid.u32;
	s7 =	ssub.s32 $0x2, s6  }
0x9: {  	s5 =	sadd.s32 $0x800, s9;
	s10 =	sshll.u32 s3, $0x1;
	s8 =	sshrl.u32 s7, $0x1  }
0xa: {  	_ =	strace $0x80000047;
	s6 =	sor.u32 s6, s10;
	s11 =	ssub.s32 s7, s8  }
0xb: {  	s6 =	smul.u32 $0x1A, s6;
	s7 =	sadd.s32 $0x1800, s9;
	s8 =	sadd.s32 $0x2800, s9  }
0xc: {  	s9 =	sadd.s32 $0x3800, s9;
	s10 =	smax.u32 s11, $0x1;
	s11 =	simm.s32 $0x80  }
.LBB2_1:
0xd: {  	s21 =	simm.s32 $0x0  }
.LBB2_2:
0xe: {  	s24 =	sadd.s32 s6, s21  }
0xf: {  	s22 =	sshrl.u32 s24, $0x3  }
0x10: {  	s23 =	sshll.u32 s24, $0x7;
	s25 =	smul.u32 $0xC3800, s22  }
0x11: {  	s23 =	sand.u32 $0x380, s23  }
0x12: {  	s25 =	sor.u32 s23, s25  }
0x13: {  	s25 =	sshrl.u32 s25, $0x3  }
0x14: {  	s25 =	sadd.s32 s1, s25  }
0x15: {  	[tilespmem:s4], [sflag:$0x1] =	stream.strided.gather [hbm4b:s25+s11], $0x18700, s12, s11, $0x38;
	[tilespmem:$0x1F700] =	vst v63  }
0x16: {  	p0 =	seq.s32 s21, $0x0;
	s25 =	sand.u32 $0x1F, s24  }
0x17: {  	p1 =	sne.s32 @!p0 s25, $0x0  }
0x18: {  	p0 =	por p0, !p1  }
0x19: {  	s25 =	sshrl.u32 @p0 s24, $0x1  }
0x1a: {  	s24 =	sshll.u32 @p0 s24, $0x6;
	s25 =	sand.u32 @p0 $0x70, s25  }
0x1b: {  	s26 =	simm.s32 @p0 $0x400;
	s24 =	sand.u32 @p0 $0xFFFC000, s24;
	s25 =	sadd.s32 @p0 s2, s25  }
0x1c: {  	s28 =	simm.s32 @p0 $0x18700;
	s24 =	sadd.s32 @p0 s24, s25;
	s25 =	simm.s32 @p0 $0x80  }
0x1d: {  	[tilespmem:s28], [sflag:$0x5] =	stream.strided.gather @p0 [hbm4b:s24+s25], $0x4000, s26, s25, $0x38;
	[tilespmem:$0x1F700] =	vst v63  }
0x1e: {  	s24 =	simm.s32 @p0 $0x5  }
0x1f: {  	_ =	swait.ge @p0 [sflag:s24], $0x4000  }
0x20: {  	p1 =	seq.s32 @p0 s21, $0x0;
	[sflag:s24] =	ssyncset.done @p0 $0x0  }
0x21: {  	p1 =	por !p0, !p1;
	[sflag:s24] =	ssyncadd.s32 @p0 $0xFFFFC000  }
0x22: {  	_ =	swait.ge @p1 [sflag:s18], $0x1000  }
0x23: {  	[sflag:s18] =	ssyncset.done @p1 $0x0  }
0x24: {  	[sflag:s18] =	ssyncadd.s32 @p1 $0xFFFFF000  }
0x25: {  	_ =	swait.ge @p1 [sflag:s19], $0x1000  }
0x26: {  	[sflag:s19] =	ssyncset.done @p1 $0x0  }
0x27: {  	[sflag:s19] =	ssyncadd.s32 @p1 $0xFFFFF000  }
0x28: {  	_ =	swait.ge @p1 [sflag:s17], $0x1000  }
0x29: {  	[sflag:s17] =	ssyncset.done @p1 $0x0  }
0x2a: {  	[sflag:s17] =	ssyncadd.s32 @p1 $0xFFFFF000  }
0x2b: {  	_ =	swait.ge [sflag:s13], $0x18700  }
0x2c: {  	[sflag:s13] =	ssyncset.done $0x0  }
0x2d: {  	s31 =	simm.s32 $0x18780;
	[sflag:s13] =	ssyncadd.s32 $0xFFFE7900  }
0x2e: {  	v0 =	vld [tilespmem:s31+$0x70]  }
0x2f: {  	v1 =	vld [tilespmem:s31+$0xFFFFFF90]  }
0x30: {  	v2 =	vld [tilespmem:s31+$0xFFFFFFA0]  }
0x31: {  	v3 =	vld [tilespmem:s31+$0xFFFFFFB0]  }
0x32: {  	v4 =	vld [tilespmem:s31+$0xFFFFFFC0]  }
0x33: {  	v5 =	vld [tilespmem:s31+$0xFFFFFFD0]  }
0x34: {  	v6 =	vld [tilespmem:s31+$0xFFFFFFE0]  }
0x35: {  	v7 =	vld [tilespmem:s31+$0xFFFFFFF0]  }
0x36: {  	v8 =	vld [tilespmem:s31+$0x0]  }
0x37: {  	v9 =	vld [tilespmem:s31+$0x10]  }
0x38: {  	v10 =	vld [tilespmem:s31+$0x20]  }
0x39: {  	v11 =	vld [tilespmem:s31+$0x30]  }
0x3a: {  	v12 =	vld [tilespmem:s31+$0x40]  }
0x3b: {  	v13 =	vld [tilespmem:s31+$0x50]  }
0x3c: {  	v14 =	vld [tilespmem:s31+$0x60]  }
0x3d: {  	v15 =	vld [tilespmem:s31+$0xFFFFFF80]  }
0x3e: {  	v0 =	vld.idx.msk [tilespmem:v0+s4+$0x0], $0xffff  }
0x3f: {  	v1 =	vld.idx.msk [tilespmem:v1+s4+$0x0], $0xffff  }
0x40: {  	v2 =	vld.idx.msk [tilespmem:v2+s4+$0x0], $0xffff  }
0x41: {  	v3 =	vld.idx.msk [tilespmem:v3+s4+$0x0], $0xffff  }
0x42: {  	v4 =	vld.idx.msk [tilespmem:v4+s4+$0x0], $0xffff  }
0x43: {  	s24 =	simm.s32 $0x1C780;
	v5 =	vld.idx.msk [tilespmem:v5+s4+$0x0], $0xffff  }
0x44: {  	v6 =	vld.idx.msk [tilespmem:v6+s4+$0x0], $0xffff;
	[tilespmem:s24+$0x70] =	vst v0  }
0x45: {  	v7 =	vld.idx.msk [tilespmem:v7+s4+$0x0], $0xffff;
	[tilespmem:s24+$0xFFFFFF90] =	vst v1  }
0x46: {  	v15 =	vld.idx.msk [tilespmem:v15+s4+$0x0], $0xffff;
	[tilespmem:s24+$0xFFFFFFA0] =	vst v2  }
0x47: {  	v8 =	vld.idx.msk [tilespmem:v8+s4+$0x0], $0xffff;
	[tilespmem:s24+$0xFFFFFFB0] =	vst v3  }
0x48: {  	[tilespmem:s24+$0xFFFFFFC0] =	vst v4;
	v0 =	vld.idx.msk [tilespmem:v9+s4+$0x0], $0xffff  }
0x49: {  	[tilespmem:s24+$0xFFFFFFD0] =	vst v5;
	v1 =	vld.idx.msk [tilespmem:v10+s4+$0x0], $0xffff  }
0x4a: {  	[tilespmem:s24+$0xFFFFFFE0] =	vst v6;
	v2 =	vld.idx.msk [tilespmem:v11+s4+$0x0], $0xffff  }
0x4b: {  	[tilespmem:s24+$0xFFFFFFF0] =	vst v7;
	v3 =	vld.idx.msk [tilespmem:v12+s4+$0x0], $0xffff  }
0x4c: {  	[tilespmem:s24+$0xFFFFFF80] =	vst v15;
	v4 =	vld.idx.msk [tilespmem:v13+s4+$0x0], $0xffff  }
0x4d: {  	s25 =	simm.s32 $0x0;
	s26 =	simm.s32 $0x18880;
	[tilespmem:s24+$0x0] =	vst v8;
	v5 =	vld.idx.msk [tilespmem:v14+s4+$0x0], $0xffff  }
.LBB2_3:
0x4e: {  	v6 =	vld [tilespmem:s26+$0x70];
	s25 =	sadd.s32 $0x10, s25;
	[tilespmem:s24+$0x10] =	vst v0  }
0x4f: {  	v0 =	vld [tilespmem:s26+$0xFFFFFF90];
	p0 =	slt.u32 s25, $0xF0;
	[tilespmem:s24+$0x20] =	vst v1  }
0x50: {  	v1 =	vld [tilespmem:s26+$0xFFFFFFA0];
	[tilespmem:s24+$0x30] =	vst v2  }
0x51: {  	v2 =	vld [tilespmem:s26+$0xFFFFFFB0];
	[tilespmem:s24+$0x40] =	vst v3  }
0x52: {  	v3 =	vld [tilespmem:s26+$0xFFFFFFC0];
	[tilespmem:s24+$0x50] =	vst v4  }
0x53: {  	v4 =	vld [tilespmem:s26+$0xFFFFFFD0];
	[tilespmem:s24+$0x60] =	vst v5  }
0x54: {  	v5 =	vld [tilespmem:s26+$0xFFFFFFE0]  }
0x55: {  	v7 =	vld [tilespmem:s26+$0xFFFFFFF0]  }
0x56: {  	v6 =	vld.idx.msk [tilespmem:v6+s4+$0x0], $0xffff  }
0x57: {  	v8 =	vld [tilespmem:s26+$0x0]  }
0x58: {  	v9 =	vld [tilespmem:s26+$0x10]  }
0x59: {  	v10 =	vld [tilespmem:s26+$0x20]  }
0x5a: {  	v11 =	vld [tilespmem:s26+$0x30]  }
0x5b: {  	s24 =	sadd.s32 $0x100, s24;
	v12 =	vld [tilespmem:s26+$0x40]  }
0x5c: {  	v13 =	vld [tilespmem:s26+$0x50];
	[tilespmem:s24+$0x70] =	vst v6  }
0x5d: {  	v6 =	vld [tilespmem:s26+$0x60]  }
0x5e: {  	v14 =	vld [tilespmem:s26+$0xFFFFFF80]  }
0x5f: {  	v0 =	vld.idx.msk [tilespmem:v0+s4+$0x0], $0xffff  }
0x60: {  	v1 =	vld.idx.msk [tilespmem:v1+s4+$0x0], $0xffff  }
0x61: {  	v2 =	vld.idx.msk [tilespmem:v2+s4+$0x0], $0xffff  }
0x62: {  	v3 =	vld.idx.msk [tilespmem:v3+s4+$0x0], $0xffff  }
0x63: {  	v4 =	vld.idx.msk [tilespmem:v4+s4+$0x0], $0xffff  }
0x64: {  	v5 =	vld.idx.msk [tilespmem:v5+s4+$0x0], $0xffff  }
0x65: {  	[tilespmem:s24+$0xFFFFFF90] =	vst v0;
	v7 =	vld.idx.msk [tilespmem:v7+s4+$0x0], $0xffff  }
0x66: {  	v14 =	vld.idx.msk [tilespmem:v14+s4+$0x0], $0xffff;
	[tilespmem:s24+$0xFFFFFFA0] =	vst v1  }
0x67: {  	[tilespmem:s24+$0xFFFFFFB0] =	vst v2;
	v8 =	vld.idx.msk [tilespmem:v8+s4+$0x0], $0xffff  }
0x68: {  	[tilespmem:s24+$0xFFFFFFC0] =	vst v3;
	v0 =	vld.idx.msk [tilespmem:v9+s4+$0x0], $0xffff  }
.Ltmp0:
0x69: {  	[tilespmem:s24+$0xFFFFFFD0] =	vst v4;
	v1 =	vld.idx.msk [tilespmem:v10+s4+$0x0], $0xffff;
	(pc) =	sbr.rel @p0 .LBB2_3-.Ltmp0, $4  }
0x6a: {  	[tilespmem:s24+$0xFFFFFFE0] =	vst v5;
	v2 =	vld.idx.msk [tilespmem:v11+s4+$0x0], $0xffff  }
0x6b: {  	[tilespmem:s24+$0xFFFFFFF0] =	vst v7;
	v3 =	vld.idx.msk [tilespmem:v12+s4+$0x0], $0xffff  }
0x6c: {  	[tilespmem:s24+$0xFFFFFF80] =	vst v14;
	v4 =	vld.idx.msk [tilespmem:v13+s4+$0x0], $0xffff  }
0x6d: {  	s26 =	sadd.s32 $0x100, s26;
	[tilespmem:s24+$0x0] =	vst v8;
	v5 =	vld.idx.msk [tilespmem:v6+s4+$0x0], $0xffff  }
0x6e: {  	[tilespmem:s24+$0x10] =	vst v0  }
0x6f: {  	[tilespmem:s24+$0x20] =	vst v1  }
0x70: {  	s22 =	sshll.u32 s22, $0x11;
	[tilespmem:s24+$0x30] =	vst v2  }
0x71: {  	s22 =	sor.u32 s23, s22;
	[tilespmem:s24+$0x40] =	vst v3  }
0x72: {  	s22 =	sshrl.u32 s22, $0x3;
	[tilespmem:s24+$0x50] =	vst v4  }
0x73: {  	s31 =	simm.s32 $0x197F0;
	s30 =	sadd.s32 s5, s22;
	[tilespmem:s24+$0x60] =	vst v5  }
0x74: {  	[hbm4b:s30+s11] =	stream.strided.scatter [tilespmem:s14], [sflag:$0x2], $0x1000, s12, s11, $0x38;
	[tilespmem:$0x1F700] =	vst v63  }
0x75: {  	v0 =	vld [tilespmem:s31+$0x0]  }
0x76: {  	v1 =	vld [tilespmem:s31+$0xFFFFFF20]  }
0x77: {  	v2 =	vld [tilespmem:s31+$0xFFFFFF30]  }
0x78: {  	v3 =	vld [tilespmem:s31+$0xFFFFFF40]  }
0x79: {  	v4 =	vld [tilespmem:s31+$0xFFFFFF50]  }
0x7a: {  	v5 =	vld [tilespmem:s31+$0xFFFFFF60]  }
0x7b: {  	v6 =	vld [tilespmem:s31+$0xFFFFFF70]  }
0x7c: {  	v7 =	vld [tilespmem:s31+$0xFFFFFF80]  }
0x7d: {  	v8 =	vld [tilespmem:s31+$0xFFFFFF90]  }
0x7e: {  	v9 =	vld [tilespmem:s31+$0xFFFFFFA0]  }
0x7f: {  	v10 =	vld [tilespmem:s31+$0xFFFFFFB0]  }
0x80: {  	v11 =	vld [tilespmem:s31+$0xFFFFFFC0]  }
0x81: {  	v12 =	vld [tilespmem:s31+$0xFFFFFFD0]  }
0x82: {  	v13 =	vld [tilespmem:s31+$0xFFFFFFE0]  }
0x83: {  	v14 =	vld [tilespmem:s31+$0xFFFFFFF0]  }
0x84: {  	v15 =	vld [tilespmem:s31+$0xFFFFFF10]  }
0x85: {  	v0 =	vld.idx.msk [tilespmem:v0+s4+$0x0], $0xffff  }
0x86: {  	v1 =	vld.idx.msk [tilespmem:v1+s4+$0x0], $0xffff  }
0x87: {  	v2 =	vld.idx.msk [tilespmem:v2+s4+$0x0], $0xffff  }
0x88: {  	v3 =	vld.idx.msk [tilespmem:v3+s4+$0x0], $0xffff  }
0x89: {  	v4 =	vld.idx.msk [tilespmem:v4+s4+$0x0], $0xffff  }
0x8a: {  	s23 =	simm.s32 $0x1D780;
	v5 =	vld.idx.msk [tilespmem:v5+s4+$0x0], $0xffff  }
0x8b: {  	v6 =	vld.idx.msk [tilespmem:v6+s4+$0x0], $0xffff;
	[tilespmem:s23+$0x70] =	vst v0  }
0x8c: {  	v7 =	vld.idx.msk [tilespmem:v7+s4+$0x0], $0xffff;
	[tilespmem:s23+$0xFFFFFF90] =	vst v1  }
0x8d: {  	v15 =	vld.idx.msk [tilespmem:v15+s4+$0x0], $0xffff;
	[tilespmem:s23+$0xFFFFFFA0] =	vst v2  }
0x8e: {  	v8 =	vld.idx.msk [tilespmem:v8+s4+$0x0], $0xffff;
	[tilespmem:s23+$0xFFFFFFB0] =	vst v3  }
0x8f: {  	[tilespmem:s23+$0xFFFFFFC0] =	vst v4;
	v0 =	vld.idx.msk [tilespmem:v9+s4+$0x0], $0xffff  }
0x90: {  	[tilespmem:s23+$0xFFFFFFD0] =	vst v5;
	v1 =	vld.idx.msk [tilespmem:v10+s4+$0x0], $0xffff  }
0x91: {  	[tilespmem:s23+$0xFFFFFFE0] =	vst v6;
	v2 =	vld.idx.msk [tilespmem:v11+s4+$0x0], $0xffff  }
0x92: {  	[tilespmem:s23+$0xFFFFFFF0] =	vst v7;
	v3 =	vld.idx.msk [tilespmem:v12+s4+$0x0], $0xffff  }
0x93: {  	[tilespmem:s23+$0xFFFFFF80] =	vst v15;
	v4 =	vld.idx.msk [tilespmem:v13+s4+$0x0], $0xffff  }
0x94: {  	s25 =	simm.s32 $0x198F0;
	s24 =	simm.s32 $0x0;
	[tilespmem:s23+$0x0] =	vst v8;
	v5 =	vld.idx.msk [tilespmem:v14+s4+$0x0], $0xffff  }
.LBB2_5:
0x95: {  	v6 =	vld [tilespmem:s25+$0x0];
	s24 =	sadd.s32 $0x10, s24;
	[tilespmem:s23+$0x10] =	vst v0  }
0x96: {  	v0 =	vld [tilespmem:s25+$0xFFFFFF20];
	p0 =	slt.u32 s24, $0xF0;
	[tilespmem:s23+$0x20] =	vst v1  }
0x97: {  	v1 =	vld [tilespmem:s25+$0xFFFFFF30];
	[tilespmem:s23+$0x30] =	vst v2  }
0x98: {  	v2 =	vld [tilespmem:s25+$0xFFFFFF40];
	[tilespmem:s23+$0x40] =	vst v3  }
0x99: {  	v3 =	vld [tilespmem:s25+$0xFFFFFF50];
	[tilespmem:s23+$0x50] =	vst v4  }
0x9a: {  	v4 =	vld [tilespmem:s25+$0xFFFFFF60];
	[tilespmem:s23+$0x60] =	vst v5  }
0x9b: {  	v5 =	vld [tilespmem:s25+$0xFFFFFF70]  }
0x9c: {  	v7 =	vld [tilespmem:s25+$0xFFFFFF80]  }
0x9d: {  	v6 =	vld.idx.msk [tilespmem:v6+s4+$0x0], $0xffff  }
0x9e: {  	v8 =	vld [tilespmem:s25+$0xFFFFFF90]  }
0x9f: {  	v9 =	vld [tilespmem:s25+$0xFFFFFFA0]  }
0xa0: {  	v10 =	vld [tilespmem:s25+$0xFFFFFFB0]  }
0xa1: {  	v11 =	vld [tilespmem:s25+$0xFFFFFFC0]  }
0xa2: {  	s23 =	sadd.s32 $0x100, s23;
	v12 =	vld [tilespmem:s25+$0xFFFFFFD0]  }
0xa3: {  	v13 =	vld [tilespmem:s25+$0xFFFFFFE0];
	[tilespmem:s23+$0x70] =	vst v6  }
0xa4: {  	v6 =	vld [tilespmem:s25+$0xFFFFFFF0]  }
0xa5: {  	v14 =	vld [tilespmem:s25+$0xFFFFFF10]  }
0xa6: {  	v0 =	vld.idx.msk [tilespmem:v0+s4+$0x0], $0xffff  }
0xa7: {  	v1 =	vld.idx.msk [tilespmem:v1+s4+$0x0], $0xffff  }
0xa8: {  	v2 =	vld.idx.msk [tilespmem:v2+s4+$0x0], $0xffff  }
0xa9: {  	v3 =	vld.idx.msk [tilespmem:v3+s4+$0x0], $0xffff  }
0xaa: {  	v4 =	vld.idx.msk [tilespmem:v4+s4+$0x0], $0xffff  }
0xab: {  	v5 =	vld.idx.msk [tilespmem:v5+s4+$0x0], $0xffff  }
0xac: {  	[tilespmem:s23+$0xFFFFFF90] =	vst v0;
	v7 =	vld.idx.msk [tilespmem:v7+s4+$0x0], $0xffff  }
0xad: {  	v14 =	vld.idx.msk [tilespmem:v14+s4+$0x0], $0xffff;
	[tilespmem:s23+$0xFFFFFFA0] =	vst v1  }
0xae: {  	[tilespmem:s23+$0xFFFFFFB0] =	vst v2;
	v8 =	vld.idx.msk [tilespmem:v8+s4+$0x0], $0xffff  }
0xaf: {  	[tilespmem:s23+$0xFFFFFFC0] =	vst v3;
	v0 =	vld.idx.msk [tilespmem:v9+s4+$0x0], $0xffff  }
.Ltmp1:
0xb0: {  	[tilespmem:s23+$0xFFFFFFD0] =	vst v4;
	v1 =	vld.idx.msk [tilespmem:v10+s4+$0x0], $0xffff;
	(pc) =	sbr.rel @p0 .LBB2_5-.Ltmp1, $4  }
0xb1: {  	[tilespmem:s23+$0xFFFFFFE0] =	vst v5;
	v2 =	vld.idx.msk [tilespmem:v11+s4+$0x0], $0xffff  }
0xb2: {  	[tilespmem:s23+$0xFFFFFFF0] =	vst v7;
	v3 =	vld.idx.msk [tilespmem:v12+s4+$0x0], $0xffff  }
0xb3: {  	[tilespmem:s23+$0xFFFFFF80] =	vst v14;
	v4 =	vld.idx.msk [tilespmem:v13+s4+$0x0], $0xffff  }
0xb4: {  	s25 =	sadd.s32 $0x100, s25;
	[tilespmem:s23+$0x0] =	vst v8;
	v5 =	vld.idx.msk [tilespmem:v6+s4+$0x0], $0xffff  }
0xb5: {  	[tilespmem:s23+$0x10] =	vst v0  }
0xb6: {  	[tilespmem:s23+$0x20] =	vst v1  }
0xb7: {  	[tilespmem:s23+$0x30] =	vst v2  }
0xb8: {  	[tilespmem:s23+$0x40] =	vst v3  }
0xb9: {  	[tilespmem:s23+$0x50] =	vst v4  }
0xba: {  	s30 =	sadd.s32 s22, s7;
	s31 =	simm.s32 $0x1A7F0;
	[tilespmem:s23+$0x60] =	vst v5  }
0xbb: {  	[hbm4b:s30+s11] =	stream.strided.scatter [tilespmem:s15], [sflag:$0x3], $0x1000, s12, s11, $0x38;
	[tilespmem:$0x1F700] =	vst v63  }
0xbc: {  	v0 =	vld [tilespmem:s31+$0x0]  }
0xbd: {  	v1 =	vld [tilespmem:s31+$0xFFFFFF20]  }
0xbe: {  	v2 =	vld [tilespmem:s31+$0xFFFFFF30]  }
0xbf: {  	v3 =	vld [tilespmem:s31+$0xFFFFFF40]  }
0xc0: {  	v4 =	vld [tilespmem:s31+$0xFFFFFF50]  }
0xc1: {  	v5 =	vld [tilespmem:s31+$0xFFFFFF60]  }
0xc2: {  	v6 =	vld [tilespmem:s31+$0xFFFFFF70]  }
0xc3: {  	v7 =	vld [tilespmem:s31+$0xFFFFFF80]  }
0xc4: {  	v8 =	vld [tilespmem:s31+$0xFFFFFF90]  }
0xc5: {  	v9 =	vld [tilespmem:s31+$0xFFFFFFA0]  }
0xc6: {  	v10 =	vld [tilespmem:s31+$0xFFFFFFB0]  }
0xc7: {  	v11 =	vld [tilespmem:s31+$0xFFFFFFC0]  }
0xc8: {  	v12 =	vld [tilespmem:s31+$0xFFFFFFD0]  }
0xc9: {  	v13 =	vld [tilespmem:s31+$0xFFFFFFE0]  }
0xca: {  	v14 =	vld [tilespmem:s31+$0xFFFFFFF0]  }
0xcb: {  	v15 =	vld [tilespmem:s31+$0xFFFFFF10]  }
0xcc: {  	v0 =	vld.idx.msk [tilespmem:v0+s4+$0x0], $0xffff  }
0xcd: {  	v1 =	vld.idx.msk [tilespmem:v1+s4+$0x0], $0xffff  }
0xce: {  	v2 =	vld.idx.msk [tilespmem:v2+s4+$0x0], $0xffff  }
0xcf: {  	v3 =	vld.idx.msk [tilespmem:v3+s4+$0x0], $0xffff  }
0xd0: {  	v4 =	vld.idx.msk [tilespmem:v4+s4+$0x0], $0xffff  }
0xd1: {  	s23 =	simm.s32 $0x1E780;
	v5 =	vld.idx.msk [tilespmem:v5+s4+$0x0], $0xffff  }
0xd2: {  	v6 =	vld.idx.msk [tilespmem:v6+s4+$0x0], $0xffff;
	[tilespmem:s23+$0x70] =	vst v0  }
0xd3: {  	v7 =	vld.idx.msk [tilespmem:v7+s4+$0x0], $0xffff;
	[tilespmem:s23+$0xFFFFFF90] =	vst v1  }
0xd4: {  	v15 =	vld.idx.msk [tilespmem:v15+s4+$0x0], $0xffff;
	[tilespmem:s23+$0xFFFFFFA0] =	vst v2  }
0xd5: {  	v8 =	vld.idx.msk [tilespmem:v8+s4+$0x0], $0xffff;
	[tilespmem:s23+$0xFFFFFFB0] =	vst v3  }
0xd6: {  	[tilespmem:s23+$0xFFFFFFC0] =	vst v4;
	v0 =	vld.idx.msk [tilespmem:v9+s4+$0x0], $0xffff  }
0xd7: {  	[tilespmem:s23+$0xFFFFFFD0] =	vst v5;
	v1 =	vld.idx.msk [tilespmem:v10+s4+$0x0], $0xffff  }
0xd8: {  	[tilespmem:s23+$0xFFFFFFE0] =	vst v6;
	v2 =	vld.idx.msk [tilespmem:v11+s4+$0x0], $0xffff  }
0xd9: {  	[tilespmem:s23+$0xFFFFFFF0] =	vst v7;
	v3 =	vld.idx.msk [tilespmem:v12+s4+$0x0], $0xffff  }
0xda: {  	[tilespmem:s23+$0xFFFFFF80] =	vst v15;
	v4 =	vld.idx.msk [tilespmem:v13+s4+$0x0], $0xffff  }
0xdb: {  	s24 =	simm.s32 $0x0;
	s25 =	simm.s32 $0x1A8F0;
	[tilespmem:s23+$0x0] =	vst v8;
	v5 =	vld.idx.msk [tilespmem:v14+s4+$0x0], $0xffff  }
.LBB2_7:
0xdc: {  	v6 =	vld [tilespmem:s25+$0x0];
	s24 =	sadd.s32 $0x10, s24;
	[tilespmem:s23+$0x10] =	vst v0  }
0xdd: {  	v0 =	vld [tilespmem:s25+$0xFFFFFF20];
	p0 =	slt.u32 s24, $0xF0;
	[tilespmem:s23+$0x20] =	vst v1  }
0xde: {  	v1 =	vld [tilespmem:s25+$0xFFFFFF30];
	[tilespmem:s23+$0x30] =	vst v2  }
0xdf: {  	v2 =	vld [tilespmem:s25+$0xFFFFFF40];
	[tilespmem:s23+$0x40] =	vst v3  }
0xe0: {  	v3 =	vld [tilespmem:s25+$0xFFFFFF50];
	[tilespmem:s23+$0x50] =	vst v4  }
0xe1: {  	v4 =	vld [tilespmem:s25+$0xFFFFFF60];
	[tilespmem:s23+$0x60] =	vst v5  }
0xe2: {  	v5 =	vld [tilespmem:s25+$0xFFFFFF70]  }
0xe3: {  	v7 =	vld [tilespmem:s25+$0xFFFFFF80]  }
0xe4: {  	v6 =	vld.idx.msk [tilespmem:v6+s4+$0x0], $0xffff  }
0xe5: {  	v8 =	vld [tilespmem:s25+$0xFFFFFF90]  }
0xe6: {  	v9 =	vld [tilespmem:s25+$0xFFFFFFA0]  }
0xe7: {  	v10 =	vld [tilespmem:s25+$0xFFFFFFB0]  }
0xe8: {  	v11 =	vld [tilespmem:s25+$0xFFFFFFC0]  }
0xe9: {  	s23 =	sadd.s32 $0x100, s23;
	v12 =	vld [tilespmem:s25+$0xFFFFFFD0]  }
0xea: {  	v13 =	vld [tilespmem:s25+$0xFFFFFFE0];
	[tilespmem:s23+$0x70] =	vst v6  }
0xeb: {  	v6 =	vld [tilespmem:s25+$0xFFFFFFF0]  }
0xec: {  	v14 =	vld [tilespmem:s25+$0xFFFFFF10]  }
0xed: {  	v0 =	vld.idx.msk [tilespmem:v0+s4+$0x0], $0xffff  }
0xee: {  	v1 =	vld.idx.msk [tilespmem:v1+s4+$0x0], $0xffff  }
0xef: {  	v2 =	vld.idx.msk [tilespmem:v2+s4+$0x0], $0xffff  }
0xf0: {  	v3 =	vld.idx.msk [tilespmem:v3+s4+$0x0], $0xffff  }
0xf1: {  	v4 =	vld.idx.msk [tilespmem:v4+s4+$0x0], $0xffff  }
0xf2: {  	v5 =	vld.idx.msk [tilespmem:v5+s4+$0x0], $0xffff  }
0xf3: {  	[tilespmem:s23+$0xFFFFFF90] =	vst v0;
	v7 =	vld.idx.msk [tilespmem:v7+s4+$0x0], $0xffff  }
0xf4: {  	v14 =	vld.idx.msk [tilespmem:v14+s4+$0x0], $0xffff;
	[tilespmem:s23+$0xFFFFFFA0] =	vst v1  }
0xf5: {  	[tilespmem:s23+$0xFFFFFFB0] =	vst v2;
	v8 =	vld.idx.msk [tilespmem:v8+s4+$0x0], $0xffff  }
0xf6: {  	[tilespmem:s23+$0xFFFFFFC0] =	vst v3;
	v0 =	vld.idx.msk [tilespmem:v9+s4+$0x0], $0xffff  }
.Ltmp2:
0xf7: {  	[tilespmem:s23+$0xFFFFFFD0] =	vst v4;
	v1 =	vld.idx.msk [tilespmem:v10+s4+$0x0], $0xffff;
	(pc) =	sbr.rel @p0 .LBB2_7-.Ltmp2, $4  }
0xf8: {  	[tilespmem:s23+$0xFFFFFFE0] =	vst v5;
	v2 =	vld.idx.msk [tilespmem:v11+s4+$0x0], $0xffff  }
0xf9: {  	[tilespmem:s23+$0xFFFFFFF0] =	vst v7;
	v3 =	vld.idx.msk [tilespmem:v12+s4+$0x0], $0xffff  }
0xfa: {  	[tilespmem:s23+$0xFFFFFF80] =	vst v14;
	v4 =	vld.idx.msk [tilespmem:v13+s4+$0x0], $0xffff  }
0xfb: {  	s25 =	sadd.s32 $0x100, s25;
	[tilespmem:s23+$0x0] =	vst v8;
	v5 =	vld.idx.msk [tilespmem:v6+s4+$0x0], $0xffff  }
0xfc: {  	[tilespmem:s23+$0x10] =	vst v0  }
0xfd: {  	[tilespmem:s23+$0x20] =	vst v1  }
0xfe: {  	[tilespmem:s23+$0x30] =	vst v2  }
0xff: {  	[tilespmem:s23+$0x40] =	vst v3  }
0x100: {  	[tilespmem:s23+$0x50] =	vst v4  }
0x101: {  	s30 =	sadd.s32 s22, s8;
	[tilespmem:s23+$0x60] =	vst v5  }
0x102: {  	[hbm4b:s30+s11] =	stream.strided.scatter [tilespmem:s16], [sflag:$0x4], $0x1000, s12, s11, $0x38;
	[tilespmem:$0x1F700] =	vst v63  }
0x103: {  	_ =	swait.ge [sflag:s17], $0x1000  }
0x104: {  	[sflag:s17] =	ssyncset.done $0x0  }
0x105: {  	s31 =	simm.s32 $0x1B7F0;
	[sflag:s17] =	ssyncadd.s32 $0xFFFFF000  }
0x106: {  	v0 =	vld [tilespmem:s31+$0x0]  }
0x107: {  	v1 =	vld [tilespmem:s31+$0xFFFFFF20]  }
0x108: {  	v2 =	vld [tilespmem:s31+$0xFFFFFF30]  }
0x109: {  	v3 =	vld [tilespmem:s31+$0xFFFFFF40]  }
0x10a: {  	v4 =	vld [tilespmem:s31+$0xFFFFFF50]  }
0x10b: {  	v5 =	vld [tilespmem:s31+$0xFFFFFF60]  }
0x10c: {  	v6 =	vld [tilespmem:s31+$0xFFFFFF70]  }
0x10d: {  	v7 =	vld [tilespmem:s31+$0xFFFFFF80]  }
0x10e: {  	v8 =	vld [tilespmem:s31+$0xFFFFFF90]  }
0x10f: {  	v9 =	vld [tilespmem:s31+$0xFFFFFFA0]  }
0x110: {  	v10 =	vld [tilespmem:s31+$0xFFFFFFB0]  }
0x111: {  	v11 =	vld [tilespmem:s31+$0xFFFFFFC0]  }
0x112: {  	v12 =	vld [tilespmem:s31+$0xFFFFFFD0]  }
0x113: {  	v13 =	vld [tilespmem:s31+$0xFFFFFFE0]  }
0x114: {  	v14 =	vld [tilespmem:s31+$0xFFFFFFF0]  }
0x115: {  	v15 =	vld [tilespmem:s31+$0xFFFFFF10]  }
0x116: {  	v0 =	vld.idx.msk [tilespmem:v0+s4+$0x0], $0xffff  }
0x117: {  	v1 =	vld.idx.msk [tilespmem:v1+s4+$0x0], $0xffff  }
0x118: {  	v2 =	vld.idx.msk [tilespmem:v2+s4+$0x0], $0xffff  }
0x119: {  	v3 =	vld.idx.msk [tilespmem:v3+s4+$0x0], $0xffff  }
0x11a: {  	v4 =	vld.idx.msk [tilespmem:v4+s4+$0x0], $0xffff  }
0x11b: {  	s23 =	simm.s32 $0x1C780;
	v5 =	vld.idx.msk [tilespmem:v5+s4+$0x0], $0xffff  }
0x11c: {  	v6 =	vld.idx.msk [tilespmem:v6+s4+$0x0], $0xffff;
	[tilespmem:s23+$0x70] =	vst v0  }
0x11d: {  	v7 =	vld.idx.msk [tilespmem:v7+s4+$0x0], $0xffff;
	[tilespmem:s23+$0xFFFFFF90] =	vst v1  }
0x11e: {  	v15 =	vld.idx.msk [tilespmem:v15+s4+$0x0], $0xffff;
	[tilespmem:s23+$0xFFFFFFA0] =	vst v2  }
0x11f: {  	v8 =	vld.idx.msk [tilespmem:v8+s4+$0x0], $0xffff;
	[tilespmem:s23+$0xFFFFFFB0] =	vst v3  }
0x120: {  	[tilespmem:s23+$0xFFFFFFC0] =	vst v4;
	v0 =	vld.idx.msk [tilespmem:v9+s4+$0x0], $0xffff  }
0x121: {  	[tilespmem:s23+$0xFFFFFFD0] =	vst v5;
	v1 =	vld.idx.msk [tilespmem:v10+s4+$0x0], $0xffff  }
0x122: {  	[tilespmem:s23+$0xFFFFFFE0] =	vst v6;
	v2 =	vld.idx.msk [tilespmem:v11+s4+$0x0], $0xffff  }
0x123: {  	[tilespmem:s23+$0xFFFFFFF0] =	vst v7;
	v3 =	vld.idx.msk [tilespmem:v12+s4+$0x0], $0xffff  }
0x124: {  	[tilespmem:s23+$0xFFFFFF80] =	vst v15;
	v4 =	vld.idx.msk [tilespmem:v13+s4+$0x0], $0xffff  }
0x125: {  	s24 =	simm.s32 $0x0;
	s25 =	simm.s32 $0x1B8F0;
	[tilespmem:s23+$0x0] =	vst v8;
	v5 =	vld.idx.msk [tilespmem:v14+s4+$0x0], $0xffff  }
.LBB2_9:
0x126: {  	v6 =	vld [tilespmem:s25+$0x0];
	s24 =	sadd.s32 $0x10, s24;
	[tilespmem:s23+$0x10] =	vst v0  }
0x127: {  	v0 =	vld [tilespmem:s25+$0xFFFFFF20];
	p0 =	slt.u32 s24, $0xF0;
	[tilespmem:s23+$0x20] =	vst v1  }
0x128: {  	v1 =	vld [tilespmem:s25+$0xFFFFFF30];
	[tilespmem:s23+$0x30] =	vst v2  }
0x129: {  	v2 =	vld [tilespmem:s25+$0xFFFFFF40];
	[tilespmem:s23+$0x40] =	vst v3  }
0x12a: {  	v3 =	vld [tilespmem:s25+$0xFFFFFF50];
	[tilespmem:s23+$0x50] =	vst v4  }
0x12b: {  	v4 =	vld [tilespmem:s25+$0xFFFFFF60];
	[tilespmem:s23+$0x60] =	vst v5  }
0x12c: {  	v5 =	vld [tilespmem:s25+$0xFFFFFF70]  }
0x12d: {  	v7 =	vld [tilespmem:s25+$0xFFFFFF80]  }
0x12e: {  	v6 =	vld.idx.msk [tilespmem:v6+s4+$0x0], $0xffff  }
0x12f: {  	v8 =	vld [tilespmem:s25+$0xFFFFFF90]  }
0x130: {  	v9 =	vld [tilespmem:s25+$0xFFFFFFA0]  }
0x131: {  	v10 =	vld [tilespmem:s25+$0xFFFFFFB0]  }
0x132: {  	v11 =	vld [tilespmem:s25+$0xFFFFFFC0]  }
0x133: {  	s23 =	sadd.s32 $0x100, s23;
	v12 =	vld [tilespmem:s25+$0xFFFFFFD0]  }
0x134: {  	v13 =	vld [tilespmem:s25+$0xFFFFFFE0];
	[tilespmem:s23+$0x70] =	vst v6  }
0x135: {  	v6 =	vld [tilespmem:s25+$0xFFFFFFF0]  }
0x136: {  	v14 =	vld [tilespmem:s25+$0xFFFFFF10]  }
0x137: {  	v0 =	vld.idx.msk [tilespmem:v0+s4+$0x0], $0xffff  }
0x138: {  	v1 =	vld.idx.msk [tilespmem:v1+s4+$0x0], $0xffff  }
0x139: {  	v2 =	vld.idx.msk [tilespmem:v2+s4+$0x0], $0xffff  }
0x13a: {  	v3 =	vld.idx.msk [tilespmem:v3+s4+$0x0], $0xffff  }
0x13b: {  	v4 =	vld.idx.msk [tilespmem:v4+s4+$0x0], $0xffff  }
0x13c: {  	v5 =	vld.idx.msk [tilespmem:v5+s4+$0x0], $0xffff  }
0x13d: {  	[tilespmem:s23+$0xFFFFFF90] =	vst v0;
	v7 =	vld.idx.msk [tilespmem:v7+s4+$0x0], $0xffff  }
0x13e: {  	v14 =	vld.idx.msk [tilespmem:v14+s4+$0x0], $0xffff;
	[tilespmem:s23+$0xFFFFFFA0] =	vst v1  }
0x13f: {  	[tilespmem:s23+$0xFFFFFFB0] =	vst v2;
	v8 =	vld.idx.msk [tilespmem:v8+s4+$0x0], $0xffff  }
0x140: {  	[tilespmem:s23+$0xFFFFFFC0] =	vst v3;
	v0 =	vld.idx.msk [tilespmem:v9+s4+$0x0], $0xffff  }
.Ltmp3:
0x141: {  	[tilespmem:s23+$0xFFFFFFD0] =	vst v4;
	v1 =	vld.idx.msk [tilespmem:v10+s4+$0x0], $0xffff;
	(pc) =	sbr.rel @p0 .LBB2_9-.Ltmp3, $4  }
0x142: {  	[tilespmem:s23+$0xFFFFFFE0] =	vst v5;
	v2 =	vld.idx.msk [tilespmem:v11+s4+$0x0], $0xffff  }
0x143: {  	[tilespmem:s23+$0xFFFFFFF0] =	vst v7;
	v3 =	vld.idx.msk [tilespmem:v12+s4+$0x0], $0xffff  }
0x144: {  	[tilespmem:s23+$0xFFFFFF80] =	vst v14;
	v4 =	vld.idx.msk [tilespmem:v13+s4+$0x0], $0xffff  }
0x145: {  	s25 =	sadd.s32 $0x100, s25;
	[tilespmem:s23+$0x0] =	vst v8;
	v5 =	vld.idx.msk [tilespmem:v6+s4+$0x0], $0xffff  }
0x146: {  	[tilespmem:s23+$0x10] =	vst v0;
	s21 =	sadd.s32 $0x1, s21  }
0x147: {  	[tilespmem:s23+$0x20] =	vst v1;
	p0 =	sne.s32 s21, $0x1A  }
.Ltmp4:
0x148: {  	[tilespmem:s23+$0x30] =	vst v2;
	(pc) =	sbr.rel @p0 .LBB2_2-.Ltmp4, $4  }
0x149: {  	[tilespmem:s23+$0x40] =	vst v3  }
0x14a: {  	[tilespmem:s23+$0x50] =	vst v4  }
0x14b: {  	s22 =	sadd.s32 s22, s9;
	[tilespmem:s23+$0x60] =	vst v5  }
0x14c: {  	[hbm4b:s22+s11] =	stream.strided.scatter [tilespmem:s14], [sflag:$0x2], $0x1000, s12, s11, $0x38;
	[tilespmem:$0x1F700] =	vst v63  }
0x14d: {  	_ =	swait.ge [sflag:s18], $0x1000  }
0x14e: {  	[sflag:s18] =	ssyncset.done $0x0  }
0x14f: {  	s20 =	sadd.s32 $0x1, s20;
	[sflag:s18] =	ssyncadd.s32 $0xFFFFF000  }
0x150: {  	p0 =	sne.s32 s20, s10;
	_ =	swait.ge [sflag:s19], $0x1000  }
.Ltmp5:
0x151: {  	[sflag:s19] =	ssyncset.done $0x0;
	(pc) =	sbr.rel @p0 .LBB2_1-.Ltmp5, $4  }
0x152: {  	[sflag:s19] =	ssyncadd.s32 $0xFFFFF000  }
0x153: {  	_ =	swait.ge [sflag:s17], $0x1000  }
0x154: {  	[sflag:s17] =	ssyncset.done $0x0  }
0x155: {  	[sflag:s17] =	ssyncadd.s32 $0xFFFFF000  }
0x156: {  	_ =	sfence.sel $0x180000  }
0x157: {  	[bflag:$0x0] =	sbarrier.arrive $0xFFFF  }
0x158: {  	p0 =	sne.s32 s3, $0x0;
	_ =	strace $0x90000047  }
0x159: {  	s0 =	sadd.s32 @!p0 $0x100000, s0;
	[bflag:$0x2] =	sbarrier.arrive $0xFFFF  }
0x15a: {  	[sflag:s0] =	ssyncadd.tile.s32 @!p0 $0x1;
	_ =	shalt  }
.Lfunc_end2:
_tile_overlayer_lowered:
.L_overlay_start_2:
0x15b: {  	(tag) =	ssettag $0x2  }
0x15c: {  	s0 =	rddreg [dreg:$0x0];
	s2 =	stileid.u32  }
0x15d: {  	s1 =	rddreg [dreg:$0x1];
	p0 =	sne.s32 s2, $0x0  }
0x15e: {  	s3 =	rddreg [dreg:$0x2];
	[bflag:$0x3] =	sbarrier.arrive $0xFFFF;
	s2 =	simm.s32 @!p0 $0x1C05  }
0x15f: {  	[timem:s3], [sflag:s2] =	dma.local @!p0 [hbm:s0], s1  }
0x160: {  	s0 =	simm.s32 @!p0 $0x5  }
0x161: {  	_ =	swait.ge @!p0 [sflag:s0], s1  }
0x162: {  	s1 =	ssub.s32 @!p0 $0x0, s1;
	[sflag:s0] =	ssyncset.done @!p0 $0x0  }
0x163: {  	[sflag:s0] =	ssyncadd.s32 @!p0 s1  }
0x164: {  	[bflag:$0x3] =	sbarrier.arrive $0xFFFF  }
0x165: {  	_ =	shalt  }

</sc_bundles>
